<compile_context>
chip_gen: v7x
topology: tpu7x:2x2x1
jax: 0.10.2.dev20260603
libtpu: 0.0.44.dev20260713+nightly
codegen_flags: <defaults>
</compile_context>

<pallas_src>
import functools

import jax
import jax.numpy as jnp
from jax import lax
from jax.experimental import pallas as pl
from jax.experimental.pallas import tpu as pltpu
from jax.experimental.pallas import tpu_sc as plsc

_GR = 16


@functools.lru_cache(maxsize=None)
def _make(n_rows: int, s: int, d: int):
    info = plsc.get_sparse_core_info()
    nc, ns = info.num_cores, info.num_subcores
    nw = nc * ns
    rows_w = n_rows // nw
    n_rounds = rows_w // _GR
    n_super = n_rounds // 2
    mesh = plsc.VectorSubcoreMesh(core_axis_name="c", subcore_axis_name="s")

    @functools.partial(
        pl.kernel,
        mesh=mesh,
        out_type=jax.ShapeDtypeStruct((n_rows, s, d), jnp.float32),
        scratch_types=[
            pltpu.VMEM((rows_w, s), jnp.int32),
            pltpu.VMEM((2, _GR, s, d), jnp.float32),
            pltpu.SemaphoreType.DMA,
            pltpu.SemaphoreType.DMA,
            pltpu.SemaphoreType.DMA,
            pltpu.SemaphoreType.DMA,
        ],
        compiler_params=pltpu.CompilerParams(use_tc_tiling_on_sc=False),
    )
    def gather_kernel(table_hbm, idx_hbm, out_hbm, idx_v, rows_v,
                      sem_g0, sem_g1, sem_w0, sem_w1):
        wid = lax.axis_index("s") * nc + lax.axis_index("c")
        r0_w = wid * rows_w
        pltpu.sync_copy(idx_hbm.at[pl.ds(r0_w, rows_w)], idx_v)

        sem_g = (sem_g0, sem_g1)
        sem_w = (sem_w0, sem_w1)

        def fire_gathers(r, g):
            for rr in range(_GR):
                pltpu.async_copy(
                    table_hbm.at[idx_v.at[r * _GR + rr]],
                    rows_v.at[g, rr], sem_g[g])

        def drain_gathers(g):
            for rr in range(_GR):
                pltpu.make_async_copy(
                    table_hbm.at[idx_v.at[0]],
                    rows_v.at[g, rr], sem_g[g]).wait()

        def fire_write(r, g):
            pltpu.async_copy(
                rows_v.at[g],
                out_hbm.at[pl.ds(r0_w + r * _GR, _GR)], sem_w[g])

        def drain_write(g):
            pltpu.make_async_copy(
                rows_v.at[g],
                out_hbm.at[pl.ds(0, _GR)], sem_w[g]).wait()

        fire_gathers(0, 0)

        def body(t, carry):
            r0 = 2 * t
            drain_gathers(0)
            fire_write(r0, 0)

            @pl.when(t > 0)
            def _():
                drain_write(1)
            fire_gathers(r0 + 1, 1)

            drain_gathers(1)
            fire_write(r0 + 1, 1)
            drain_write(0)

            @pl.when(t < n_super - 1)
            def _():
                fire_gathers(r0 + 2, 0)
            return carry

        lax.fori_loop(0, n_super, body, 0)
        drain_write(1)

    return gather_kernel


def kernel(x, weight):
    b, s = x.shape
    d = weight.shape[1]
    return _make(b, s, d)(weight, x.astype(jnp.int32))

# --- scband reference (transcript-rebuilt; emitter-appended) ---
"""Pipeline reference for scband-sharded-embedding-57870389347077 (READ-ONLY COPY).

The authoritative reference and input builder live on the scoring server;
editing this copy changes nothing except your own understanding.
"""

import jax, jax.numpy as jnp
import numpy as np

NUM_EMBEDDINGS = 1000000
EMBEDDING_DIM = 64
PAD_IDX = 0


def setup_inputs(seed: int = 0) -> dict:
    key = jax.random.key(seed)
    k1, k2 = jax.random.split(key)
    x = jax.random.randint(k1, (16384, 26), 0, NUM_EMBEDDINGS, dtype=jnp.int64 if jax.config.jax_enable_x64 else jnp.int32)
    weight = jax.random.normal(k2, (NUM_EMBEDDINGS, EMBEDDING_DIM), dtype=jnp.float32)
    # pad_idx row initialized to zero, matching StandardEmbedding.reset_parameters
    weight = weight.at[PAD_IDX].set(0.0)
    return {"x": x, "weight": weight}


def reference(x, weight):
    # ShardedEmbedding.forward with gang.size == 1:
    #   reduce_on_backward is identity in fwd; gather over a single shard is identity.
    #   F.embedding(x, weight, padding_idx) is a plain row gather in the forward pass
    #   (padding_idx only affects the gradient).
    return jnp.take(weight, x, axis=0)

if __name__ == "__main__":
    import jax
    _d = setup_inputs()
    print(jax.jit(kernel)(*tuple(_d.values())))

</pallas_src>

<mosaic_0001>
#map = affine_map<(d0, d1) -> (0, 0)>
#map1 = affine_map<(d0, d1) -> (0, 0, 0)>
module attributes {stable_mosaic.version = 14 : i64} {
  func.func @gather_kernel(%arg0: i32, %arg1: i32, %arg2: memref<1000000x64xf32, #tpu.memory_space<hbm>>, %arg3: memref<16384x26xi32, #tpu.memory_space<hbm>>, %arg4: memref<16384x26x64xf32, #tpu.memory_space<hbm>>, %arg5: memref<512x26xi32, #tpu.memory_space<vmem>>, %arg6: memref<2x16x26x64xf32, #tpu.memory_space<vmem>>, %arg7: memref<!tpu.dma_semaphore, #tpu.memory_space<semaphore_mem>>, %arg8: memref<!tpu.dma_semaphore, #tpu.memory_space<semaphore_mem>>, %arg9: memref<!tpu.dma_semaphore, #tpu.memory_space<semaphore_mem>>, %arg10: memref<!tpu.dma_semaphore, #tpu.memory_space<semaphore_mem>>) attributes {dimension_semantics = [#tpu.dimension_semantics<core_parallel>, #tpu.dimension_semantics<subcore_parallel>], iteration_bounds = array<i64: 2, 16>, scalar_prefetch = 0 : i64, scratch_operands = 6 : i64, tpu.core_type = #tpu.core_type<sc_vector_subcore>, window_params = [{transform_indices = #map}, {transform_indices = #map}, {transform_indices = #map1}]} {
    %mul3A = arith.constant 2 : i32
    %mul3A_0 = arith.muli %arg1, %mul3A : i32
    %add3A = arith.addi %mul3A_0, %arg0 : i32
    %mul3A_1 = arith.constant 512 : i32
    %mul3A_2 = arith.muli %add3A, %mul3A_1 : i32
    "tpu.region"() ({
      %run_scoped3A = tpu.sem_alloc : memref<!tpu.dma_semaphore, #tpu.memory_space<semaphore_mem>>
      %dma_start3A_233 = arith.constant 0 : i32
      %dma_start3A_234 = tpu.memref_slice %arg3[%mul3A_2, %dma_start3A_233] : memref<16384x26xi32, #tpu.memory_space<hbm>> -> memref<512x26xi32, #tpu.memory_space<hbm>>
      %dma_start3A_235 = arith.constant 0 : i32
      %dma_start3A_236 = tpu.memref_slice %arg3[%mul3A_2, %dma_start3A_235] : memref<16384x26xi32, #tpu.memory_space<hbm>> -> memref<512x26xi32, #tpu.memory_space<hbm>>
      tpu.enqueue_dma source(%dma_start3A_236 : memref<512x26xi32, #tpu.memory_space<hbm>>) target(%arg5 : memref<512x26xi32, #tpu.memory_space<vmem>>) target_semaphore(%run_scoped3A : memref<!tpu.dma_semaphore, #tpu.memory_space<semaphore_mem>>)
      %dma_wait3A_237 = arith.constant 0 : i32
      %dma_wait3A_238 = tpu.memref_slice %arg3[%mul3A_2, %dma_wait3A_237] : memref<16384x26xi32, #tpu.memory_space<hbm>> -> memref<512x26xi32, #tpu.memory_space<hbm>>
      %dma_wait3A_239 = arith.constant 0 : i32
      %dma_wait3A_240 = tpu.memref_slice %arg3[%mul3A_2, %dma_wait3A_239] : memref<16384x26xi32, #tpu.memory_space<hbm>> -> memref<512x26xi32, #tpu.memory_space<hbm>>
      tpu.wait_dma2 semaphore(%run_scoped3A : memref<!tpu.dma_semaphore, #tpu.memory_space<semaphore_mem>>) src(%dma_wait3A_240 : memref<512x26xi32, #tpu.memory_space<hbm>>) dst(%arg5 : memref<512x26xi32, #tpu.memory_space<vmem>>)
      tpu.yield
    }) : () -> ()
    %dma_start3A = arith.constant 0 : i32
    %dma_start3A_3 = arith.constant 0 : i32
    %dma_start3A_4 = arith.constant 0 : i32
    %dma_start3A_5 = arith.constant 0 : i32
    %dma_start3A_6 = arith.constant 0 : i32
    %dma_start3A_7 = tpu.memref_slice %arg6[%dma_start3A_3, %dma_start3A_4, %dma_start3A_5, %dma_start3A_6] : memref<2x16x26x64xf32, #tpu.memory_space<vmem>> -> memref<1x1x26x64xf32, #tpu.memory_space<vmem>>
    %dma_start3A_8 = tpu.memref_squeeze %dma_start3A_7 : memref<1x1x26x64xf32, #tpu.memory_space<vmem>> -> memref<26x64xf32, #tpu.memory_space<vmem>>
    %dma_start3A_9 = arith.constant 0 : i32
    %dma_start3A_10 = tpu.memref_slice %arg5[%dma_start3A, %dma_start3A_9] : memref<512x26xi32, #tpu.memory_space<vmem>> -> memref<1x26xi32, #tpu.memory_space<vmem>>
    %dma_start3A_11 = tpu.memref_squeeze %dma_start3A_10 : memref<1x26xi32, #tpu.memory_space<vmem>> -> memref<26xi32, #tpu.memory_space<vmem>>
    %dma_start3A_12 = arith.constant 0 : i32
    %dma_start3A_13 = arith.constant 0 : i32
    %dma_start3A_14 = tpu.memref_slice %arg2[%dma_start3A_12, %dma_start3A_13] : memref<1000000x64xf32, #tpu.memory_space<hbm>> -> memref<1000000x64xf32, #tpu.memory_space<hbm>>
    tpu.enqueue_indirect_dma source(%dma_start3A_14 : memref<1000000x64xf32, #tpu.memory_space<hbm>>) target(%dma_start3A_8 : memref<26x64xf32, #tpu.memory_space<vmem>>) offsets(%dma_start3A_11 : memref<26xi32, #tpu.memory_space<vmem>>) semaphore(%arg7 : memref<!tpu.dma_semaphore, #tpu.memory_space<semaphore_mem>>)
    %dma_start3A_15 = arith.constant 1 : i32
    %dma_start3A_16 = arith.constant 0 : i32
    %dma_start3A_17 = arith.constant 1 : i32
    %dma_start3A_18 = arith.constant 0 : i32
    %dma_start3A_19 = arith.constant 0 : i32
    %dma_start3A_20 = tpu.memref_slice %arg6[%dma_start3A_16, %dma_start3A_17, %dma_start3A_18, %dma_start3A_19] : memref<2x16x26x64xf32, #tpu.memory_space<vmem>> -> memref<1x1x26x64xf32, #tpu.memory_space<vmem>>
    %dma_start3A_21 = tpu.memref_squeeze %dma_start3A_20 : memref<1x1x26x64xf32, #tpu.memory_space<vmem>> -> memref<26x64xf32, #tpu.memory_space<vmem>>
    %dma_start3A_22 = arith.constant 0 : i32
    %dma_start3A_23 = tpu.memref_slice %arg5[%dma_start3A_15, %dma_start3A_22] : memref<512x26xi32, #tpu.memory_space<vmem>> -> memref<1x26xi32, #tpu.memory_space<vmem>>
    %dma_start3A_24 = tpu.memref_squeeze %dma_start3A_23 : memref<1x26xi32, #tpu.memory_space<vmem>> -> memref<26xi32, #tpu.memory_space<vmem>>
    %dma_start3A_25 = arith.constant 0 : i32
    %dma_start3A_26 = arith.constant 0 : i32
    %dma_start3A_27 = tpu.memref_slice %arg2[%dma_start3A_25, %dma_start3A_26] : memref<1000000x64xf32, #tpu.memory_space<hbm>> -> memref<1000000x64xf32, #tpu.memory_space<hbm>>
    tpu.enqueue_indirect_dma source(%dma_start3A_27 : memref<1000000x64xf32, #tpu.memory_space<hbm>>) target(%dma_start3A_21 : memref<26x64xf32, #tpu.memory_space<vmem>>) offsets(%dma_start3A_24 : memref<26xi32, #tpu.memory_space<vmem>>) semaphore(%arg7 : memref<!tpu.dma_semaphore, #tpu.memory_space<semaphore_mem>>)
    %dma_start3A_28 = arith.constant 2 : i32
    %dma_start3A_29 = arith.constant 0 : i32
    %dma_start3A_30 = arith.constant 2 : i32
    %dma_start3A_31 = arith.constant 0 : i32
    %dma_start3A_32 = arith.constant 0 : i32
    %dma_start3A_33 = tpu.memref_slice %arg6[%dma_start3A_29, %dma_start3A_30, %dma_start3A_31, %dma_start3A_32] : memref<2x16x26x64xf32, #tpu.memory_space<vmem>> -> memref<1x1x26x64xf32, #tpu.memory_space<vmem>>
    %dma_start3A_34 = tpu.memref_squeeze %dma_start3A_33 : memref<1x1x26x64xf32, #tpu.memory_space<vmem>> -> memref<26x64xf32, #tpu.memory_space<vmem>>
    %dma_start3A_35 = arith.constant 0 : i32
    %dma_start3A_36 = tpu.memref_slice %arg5[%dma_start3A_28, %dma_start3A_35] : memref<512x26xi32, #tpu.memory_space<vmem>> -> memref<1x26xi32, #tpu.memory_space<vmem>>
    %dma_start3A_37 = tpu.memref_squeeze %dma_start3A_36 : memref<1x26xi32, #tpu.memory_space<vmem>> -> memref<26xi32, #tpu.memory_space<vmem>>
    %dma_start3A_38 = arith.constant 0 : i32
    %dma_start3A_39 = arith.constant 0 : i32
    %dma_start3A_40 = tpu.memref_slice %arg2[%dma_start3A_38, %dma_start3A_39] : memref<1000000x64xf32, #tpu.memory_space<hbm>> -> memref<1000000x64xf32, #tpu.memory_space<hbm>>
    tpu.enqueue_indirect_dma source(%dma_start3A_40 : memref<1000000x64xf32, #tpu.memory_space<hbm>>) target(%dma_start3A_34 : memref<26x64xf32, #tpu.memory_space<vmem>>) offsets(%dma_start3A_37 : memref<26xi32, #tpu.memory_space<vmem>>) semaphore(%arg7 : memref<!tpu.dma_semaphore, #tpu.memory_space<semaphore_mem>>)
    %dma_start3A_41 = arith.constant 3 : i32
    %dma_start3A_42 = arith.constant 0 : i32
    %dma_start3A_43 = arith.constant 3 : i32
    %dma_start3A_44 = arith.constant 0 : i32
    %dma_start3A_45 = arith.constant 0 : i32
    %dma_start3A_46 = tpu.memref_slice %arg6[%dma_start3A_42, %dma_start3A_43, %dma_start3A_44, %dma_start3A_45] : memref<2x16x26x64xf32, #tpu.memory_space<vmem>> -> memref<1x1x26x64xf32, #tpu.memory_space<vmem>>
    %dma_start3A_47 = tpu.memref_squeeze %dma_start3A_46 : memref<1x1x26x64xf32, #tpu.memory_space<vmem>> -> memref<26x64xf32, #tpu.memory_space<vmem>>
    %dma_start3A_48 = arith.constant 0 : i32
    %dma_start3A_49 = tpu.memref_slice %arg5[%dma_start3A_41, %dma_start3A_48] : memref<512x26xi32, #tpu.memory_space<vmem>> -> memref<1x26xi32, #tpu.memory_space<vmem>>
    %dma_start3A_50 = tpu.memref_squeeze %dma_start3A_49 : memref<1x26xi32, #tpu.memory_space<vmem>> -> memref<26xi32, #tpu.memory_space<vmem>>
    %dma_start3A_51 = arith.constant 0 : i32
    %dma_start3A_52 = arith.constant 0 : i32
    %dma_start3A_53 = tpu.memref_slice %arg2[%dma_start3A_51, %dma_start3A_52] : memref<1000000x64xf32, #tpu.memory_space<hbm>> -> memref<1000000x64xf32, #tpu.memory_space<hbm>>
    tpu.enqueue_indirect_dma source(%dma_start3A_53 : memref<1000000x64xf32, #tpu.memory_space<hbm>>) target(%dma_start3A_47 : memref<26x64xf32, #tpu.memory_space<vmem>>) offsets(%dma_start3A_50 : memref<26xi32, #tpu.memory_space<vmem>>) semaphore(%arg7 : memref<!tpu.dma_semaphore, #tpu.memory_space<semaphore_mem>>)
    %dma_start3A_54 = arith.constant 4 : i32
    %dma_start3A_55 = arith.constant 0 : i32
    %dma_start3A_56 = arith.constant 4 : i32
    %dma_start3A_57 = arith.constant 0 : i32
    %dma_start3A_58 = arith.constant 0 : i32
    %dma_start3A_59 = tpu.memref_slice %arg6[%dma_start3A_55, %dma_start3A_56, %dma_start3A_57, %dma_start3A_58] : memref<2x16x26x64xf32, #tpu.memory_space<vmem>> -> memref<1x1x26x64xf32, #tpu.memory_space<vmem>>
    %dma_start3A_60 = tpu.memref_squeeze %dma_start3A_59 : memref<1x1x26x64xf32, #tpu.memory_space<vmem>> -> memref<26x64xf32, #tpu.memory_space<vmem>>
    %dma_start3A_61 = arith.constant 0 : i32
    %dma_start3A_62 = tpu.memref_slice %arg5[%dma_start3A_54, %dma_start3A_61] : memref<512x26xi32, #tpu.memory_space<vmem>> -> memref<1x26xi32, #tpu.memory_space<vmem>>
    %dma_start3A_63 = tpu.memref_squeeze %dma_start3A_62 : memref<1x26xi32, #tpu.memory_space<vmem>> -> memref<26xi32, #tpu.memory_space<vmem>>
    %dma_start3A_64 = arith.constant 0 : i32
    %dma_start3A_65 = arith.constant 0 : i32
    %dma_start3A_66 = tpu.memref_slice %arg2[%dma_start3A_64, %dma_start3A_65] : memref<1000000x64xf32, #tpu.memory_space<hbm>> -> memref<1000000x64xf32, #tpu.memory_space<hbm>>
    tpu.enqueue_indirect_dma source(%dma_start3A_66 : memref<1000000x64xf32, #tpu.memory_space<hbm>>) target(%dma_start3A_60 : memref<26x64xf32, #tpu.memory_space<vmem>>) offsets(%dma_start3A_63 : memref<26xi32, #tpu.memory_space<vmem>>) semaphore(%arg7 : memref<!tpu.dma_semaphore, #tpu.memory_space<semaphore_mem>>)
    %dma_start3A_67 = arith.constant 5 : i32
    %dma_start3A_68 = arith.constant 0 : i32
    %dma_start3A_69 = arith.constant 5 : i32
    %dma_start3A_70 = arith.constant 0 : i32
    %dma_start3A_71 = arith.constant 0 : i32
    %dma_start3A_72 = tpu.memref_slice %arg6[%dma_start3A_68, %dma_start3A_69, %dma_start3A_70, %dma_start3A_71] : memref<2x16x26x64xf32, #tpu.memory_space<vmem>> -> memref<1x1x26x64xf32, #tpu.memory_space<vmem>>
    %dma_start3A_73 = tpu.memref_squeeze %dma_start3A_72 : memref<1x1x26x64xf32, #tpu.memory_space<vmem>> -> memref<26x64xf32, #tpu.memory_space<vmem>>
    %dma_start3A_74 = arith.constant 0 : i32
    %dma_start3A_75 = tpu.memref_slice %arg5[%dma_start3A_67, %dma_start3A_74] : memref<512x26xi32, #tpu.memory_space<vmem>> -> memref<1x26xi32, #tpu.memory_space<vmem>>
    %dma_start3A_76 = tpu.memref_squeeze %dma_start3A_75 : memref<1x26xi32, #tpu.memory_space<vmem>> -> memref<26xi32, #tpu.memory_space<vmem>>
    %dma_start3A_77 = arith.constant 0 : i32
    %dma_start3A_78 = arith.constant 0 : i32
    %dma_start3A_79 = tpu.memref_slice %arg2[%dma_start3A_77, %dma_start3A_78] : memref<1000000x64xf32, #tpu.memory_space<hbm>> -> memref<1000000x64xf32, #tpu.memory_space<hbm>>
    tpu.enqueue_indirect_dma source(%dma_start3A_79 : memref<1000000x64xf32, #tpu.memory_space<hbm>>) target(%dma_start3A_73 : memref<26x64xf32, #tpu.memory_space<vmem>>) offsets(%dma_start3A_76 : memref<26xi32, #tpu.memory_space<vmem>>) semaphore(%arg7 : memref<!tpu.dma_semaphore, #tpu.memory_space<semaphore_mem>>)
    %dma_start3A_80 = arith.constant 6 : i32
    %dma_start3A_81 = arith.constant 0 : i32
    %dma_start3A_82 = arith.constant 6 : i32
    %dma_start3A_83 = arith.constant 0 : i32
    %dma_start3A_84 = arith.constant 0 : i32
    %dma_start3A_85 = tpu.memref_slice %arg6[%dma_start3A_81, %dma_start3A_82, %dma_start3A_83, %dma_start3A_84] : memref<2x16x26x64xf32, #tpu.memory_space<vmem>> -> memref<1x1x26x64xf32, #tpu.memory_space<vmem>>
    %dma_start3A_86 = tpu.memref_squeeze %dma_start3A_85 : memref<1x1x26x64xf32, #tpu.memory_space<vmem>> -> memref<26x64xf32, #tpu.memory_space<vmem>>
    %dma_start3A_87 = arith.constant 0 : i32
    %dma_start3A_88 = tpu.memref_slice %arg5[%dma_start3A_80, %dma_start3A_87] : memref<512x26xi32, #tpu.memory_space<vmem>> -> memref<1x26xi32, #tpu.memory_space<vmem>>
    %dma_start3A_89 = tpu.memref_squeeze %dma_start3A_88 : memref<1x26xi32, #tpu.memory_space<vmem>> -> memref<26xi32, #tpu.memory_space<vmem>>
    %dma_start3A_90 = arith.constant 0 : i32
    %dma_start3A_91 = arith.constant 0 : i32
    %dma_start3A_92 = tpu.memref_slice %arg2[%dma_start3A_90, %dma_start3A_91] : memref<1000000x64xf32, #tpu.memory_space<hbm>> -> memref<1000000x64xf32, #tpu.memory_space<hbm>>
    tpu.enqueue_indirect_dma source(%dma_start3A_92 : memref<1000000x64xf32, #tpu.memory_space<hbm>>) target(%dma_start3A_86 : memref<26x64xf32, #tpu.memory_space<vmem>>) offsets(%dma_start3A_89 : memref<26xi32, #tpu.memory_space<vmem>>) semaphore(%arg7 : memref<!tpu.dma_semaphore, #tpu.memory_space<semaphore_mem>>)
    %dma_start3A_93 = arith.constant 7 : i32
    %dma_start3A_94 = arith.constant 0 : i32
    %dma_start3A_95 = arith.constant 7 : i32
    %dma_start3A_96 = arith.constant 0 : i32
    %dma_start3A_97 = arith.constant 0 : i32
    %dma_start3A_98 = tpu.memref_slice %arg6[%dma_start3A_94, %dma_start3A_95, %dma_start3A_96, %dma_start3A_97] : memref<2x16x26x64xf32, #tpu.memory_space<vmem>> -> memref<1x1x26x64xf32, #tpu.memory_space<vmem>>
    %dma_start3A_99 = tpu.memref_squeeze %dma_start3A_98 : memref<1x1x26x64xf32, #tpu.memory_space<vmem>> -> memref<26x64xf32, #tpu.memory_space<vmem>>
    %dma_start3A_100 = arith.constant 0 : i32
    %dma_start3A_101 = tpu.memref_slice %arg5[%dma_start3A_93, %dma_start3A_100] : memref<512x26xi32, #tpu.memory_space<vmem>> -> memref<1x26xi32, #tpu.memory_space<vmem>>
    %dma_start3A_102 = tpu.memref_squeeze %dma_start3A_101 : memref<1x26xi32, #tpu.memory_space<vmem>> -> memref<26xi32, #tpu.memory_space<vmem>>
    %dma_start3A_103 = arith.constant 0 : i32
    %dma_start3A_104 = arith.constant 0 : i32
    %dma_start3A_105 = tpu.memref_slice %arg2[%dma_start3A_103, %dma_start3A_104] : memref<1000000x64xf32, #tpu.memory_space<hbm>> -> memref<1000000x64xf32, #tpu.memory_space<hbm>>
    tpu.enqueue_indirect_dma source(%dma_start3A_105 : memref<1000000x64xf32, #tpu.memory_space<hbm>>) target(%dma_start3A_99 : memref<26x64xf32, #tpu.memory_space<vmem>>) offsets(%dma_start3A_102 : memref<26xi32, #tpu.memory_space<vmem>>) semaphore(%arg7 : memref<!tpu.dma_semaphore, #tpu.memory_space<semaphore_mem>>)
    %dma_start3A_106 = arith.constant 8 : i32
    %dma_start3A_107 = arith.constant 0 : i32
    %dma_start3A_108 = arith.constant 8 : i32
    %dma_start3A_109 = arith.constant 0 : i32
    %dma_start3A_110 = arith.constant 0 : i32
    %dma_start3A_111 = tpu.memref_slice %arg6[%dma_start3A_107, %dma_start3A_108, %dma_start3A_109, %dma_start3A_110] : memref<2x16x26x64xf32, #tpu.memory_space<vmem>> -> memref<1x1x26x64xf32, #tpu.memory_space<vmem>>
    %dma_start3A_112 = tpu.memref_squeeze %dma_start3A_111 : memref<1x1x26x64xf32, #tpu.memory_space<vmem>> -> memref<26x64xf32, #tpu.memory_space<vmem>>
    %dma_start3A_113 = arith.constant 0 : i32
    %dma_start3A_114 = tpu.memref_slice %arg5[%dma_start3A_106, %dma_start3A_113] : memref<512x26xi32, #tpu.memory_space<vmem>> -> memref<1x26xi32, #tpu.memory_space<vmem>>
    %dma_start3A_115 = tpu.memref_squeeze %dma_start3A_114 : memref<1x26xi32, #tpu.memory_space<vmem>> -> memref<26xi32, #tpu.memory_space<vmem>>
    %dma_start3A_116 = arith.constant 0 : i32
    %dma_start3A_117 = arith.constant 0 : i32
    %dma_start3A_118 = tpu.memref_slice %arg2[%dma_start3A_116, %dma_start3A_117] : memref<1000000x64xf32, #tpu.memory_space<hbm>> -> memref<1000000x64xf32, #tpu.memory_space<hbm>>
    tpu.enqueue_indirect_dma source(%dma_start3A_118 : memref<1000000x64xf32, #tpu.memory_space<hbm>>) target(%dma_start3A_112 : memref<26x64xf32, #tpu.memory_space<vmem>>) offsets(%dma_start3A_115 : memref<26xi32, #tpu.memory_space<vmem>>) semaphore(%arg7 : memref<!tpu.dma_semaphore, #tpu.memory_space<semaphore_mem>>)
    %dma_start3A_119 = arith.constant 9 : i32
    %dma_start3A_120 = arith.constant 0 : i32
    %dma_start3A_121 = arith.constant 9 : i32
    %dma_start3A_122 = arith.constant 0 : i32
    %dma_start3A_123 = arith.constant 0 : i32
    %dma_start3A_124 = tpu.memref_slice %arg6[%dma_start3A_120, %dma_start3A_121, %dma_start3A_122, %dma_start3A_123] : memref<2x16x26x64xf32, #tpu.memory_space<vmem>> -> memref<1x1x26x64xf32, #tpu.memory_space<vmem>>
    %dma_start3A_125 = tpu.memref_squeeze %dma_start3A_124 : memref<1x1x26x64xf32, #tpu.memory_space<vmem>> -> memref<26x64xf32, #tpu.memory_space<vmem>>
    %dma_start3A_126 = arith.constant 0 : i32
    %dma_start3A_127 = tpu.memref_slice %arg5[%dma_start3A_119, %dma_start3A_126] : memref<512x26xi32, #tpu.memory_space<vmem>> -> memref<1x26xi32, #tpu.memory_space<vmem>>
    %dma_start3A_128 = tpu.memref_squeeze %dma_start3A_127 : memref<1x26xi32, #tpu.memory_space<vmem>> -> memref<26xi32, #tpu.memory_space<vmem>>
    %dma_start3A_129 = arith.constant 0 : i32
    %dma_start3A_130 = arith.constant 0 : i32
    %dma_start3A_131 = tpu.memref_slice %arg2[%dma_start3A_129, %dma_start3A_130] : memref<1000000x64xf32, #tpu.memory_space<hbm>> -> memref<1000000x64xf32, #tpu.memory_space<hbm>>
    tpu.enqueue_indirect_dma source(%dma_start3A_131 : memref<1000000x64xf32, #tpu.memory_space<hbm>>) target(%dma_start3A_125 : memref<26x64xf32, #tpu.memory_space<vmem>>) offsets(%dma_start3A_128 : memref<26xi32, #tpu.memory_space<vmem>>) semaphore(%arg7 : memref<!tpu.dma_semaphore, #tpu.memory_space<semaphore_mem>>)
    %dma_start3A_132 = arith.constant 10 : i32
    %dma_start3A_133 = arith.constant 0 : i32
    %dma_start3A_134 = arith.constant 10 : i32
    %dma_start3A_135 = arith.constant 0 : i32
    %dma_start3A_136 = arith.constant 0 : i32
    %dma_start3A_137 = tpu.memref_slice %arg6[%dma_start3A_133, %dma_start3A_134, %dma_start3A_135, %dma_start3A_136] : memref<2x16x26x64xf32, #tpu.memory_space<vmem>> -> memref<1x1x26x64xf32, #tpu.memory_space<vmem>>
    %dma_start3A_138 = tpu.memref_squeeze %dma_start3A_137 : memref<1x1x26x64xf32, #tpu.memory_space<vmem>> -> memref<26x64xf32, #tpu.memory_space<vmem>>
    %dma_start3A_139 = arith.constant 0 : i32
    %dma_start3A_140 = tpu.memref_slice %arg5[%dma_start3A_132, %dma_start3A_139] : memref<512x26xi32, #tpu.memory_space<vmem>> -> memref<1x26xi32, #tpu.memory_space<vmem>>
    %dma_start3A_141 = tpu.memref_squeeze %dma_start3A_140 : memref<1x26xi32, #tpu.memory_space<vmem>> -> memref<26xi32, #tpu.memory_space<vmem>>
    %dma_start3A_142 = arith.constant 0 : i32
    %dma_start3A_143 = arith.constant 0 : i32
    %dma_start3A_144 = tpu.memref_slice %arg2[%dma_start3A_142, %dma_start3A_143] : memref<1000000x64xf32, #tpu.memory_space<hbm>> -> memref<1000000x64xf32, #tpu.memory_space<hbm>>
    tpu.enqueue_indirect_dma source(%dma_start3A_144 : memref<1000000x64xf32, #tpu.memory_space<hbm>>) target(%dma_start3A_138 : memref<26x64xf32, #tpu.memory_space<vmem>>) offsets(%dma_start3A_141 : memref<26xi32, #tpu.memory_space<vmem>>) semaphore(%arg7 : memref<!tpu.dma_semaphore, #tpu.memory_space<semaphore_mem>>)
    %dma_start3A_145 = arith.constant 11 : i32
    %dma_start3A_146 = arith.constant 0 : i32
    %dma_start3A_147 = arith.constant 11 : i32
    %dma_start3A_148 = arith.constant 0 : i32
    %dma_start3A_149 = arith.constant 0 : i32
    %dma_start3A_150 = tpu.memref_slice %arg6[%dma_start3A_146, %dma_start3A_147, %dma_start3A_148, %dma_start3A_149] : memref<2x16x26x64xf32, #tpu.memory_space<vmem>> -> memref<1x1x26x64xf32, #tpu.memory_space<vmem>>
    %dma_start3A_151 = tpu.memref_squeeze %dma_start3A_150 : memref<1x1x26x64xf32, #tpu.memory_space<vmem>> -> memref<26x64xf32, #tpu.memory_space<vmem>>
    %dma_start3A_152 = arith.constant 0 : i32
    %dma_start3A_153 = tpu.memref_slice %arg5[%dma_start3A_145, %dma_start3A_152] : memref<512x26xi32, #tpu.memory_space<vmem>> -> memref<1x26xi32, #tpu.memory_space<vmem>>
    %dma_start3A_154 = tpu.memref_squeeze %dma_start3A_153 : memref<1x26xi32, #tpu.memory_space<vmem>> -> memref<26xi32, #tpu.memory_space<vmem>>
    %dma_start3A_155 = arith.constant 0 : i32
    %dma_start3A_156 = arith.constant 0 : i32
    %dma_start3A_157 = tpu.memref_slice %arg2[%dma_start3A_155, %dma_start3A_156] : memref<1000000x64xf32, #tpu.memory_space<hbm>> -> memref<1000000x64xf32, #tpu.memory_space<hbm>>
    tpu.enqueue_indirect_dma source(%dma_start3A_157 : memref<1000000x64xf32, #tpu.memory_space<hbm>>) target(%dma_start3A_151 : memref<26x64xf32, #tpu.memory_space<vmem>>) offsets(%dma_start3A_154 : memref<26xi32, #tpu.memory_space<vmem>>) semaphore(%arg7 : memref<!tpu.dma_semaphore, #tpu.memory_space<semaphore_mem>>)
    %dma_start3A_158 = arith.constant 12 : i32
    %dma_start3A_159 = arith.constant 0 : i32
    %dma_start3A_160 = arith.constant 12 : i32
    %dma_start3A_161 = arith.constant 0 : i32
    %dma_start3A_162 = arith.constant 0 : i32
    %dma_start3A_163 = tpu.memref_slice %arg6[%dma_start3A_159, %dma_start3A_160, %dma_start3A_161, %dma_start3A_162] : memref<2x16x26x64xf32, #tpu.memory_space<vmem>> -> memref<1x1x26x64xf32, #tpu.memory_space<vmem>>
    %dma_start3A_164 = tpu.memref_squeeze %dma_start3A_163 : memref<1x1x26x64xf32, #tpu.memory_space<vmem>> -> memref<26x64xf32, #tpu.memory_space<vmem>>
    %dma_start3A_165 = arith.constant 0 : i32
    %dma_start3A_166 = tpu.memref_slice %arg5[%dma_start3A_158, %dma_start3A_165] : memref<512x26xi32, #tpu.memory_space<vmem>> -> memref<1x26xi32, #tpu.memory_space<vmem>>
    %dma_start3A_167 = tpu.memref_squeeze %dma_start3A_166 : memref<1x26xi32, #tpu.memory_space<vmem>> -> memref<26xi32, #tpu.memory_space<vmem>>
    %dma_start3A_168 = arith.constant 0 : i32
    %dma_start3A_169 = arith.constant 0 : i32
    %dma_start3A_170 = tpu.memref_slice %arg2[%dma_start3A_168, %dma_start3A_169] : memref<1000000x64xf32, #tpu.memory_space<hbm>> -> memref<1000000x64xf32, #tpu.memory_space<hbm>>
    tpu.enqueue_indirect_dma source(%dma_start3A_170 : memref<1000000x64xf32, #tpu.memory_space<hbm>>) target(%dma_start3A_164 : memref<26x64xf32, #tpu.memory_space<vmem>>) offsets(%dma_start3A_167 : memref<26xi32, #tpu.memory_space<vmem>>) semaphore(%arg7 : memref<!tpu.dma_semaphore, #tpu.memory_space<semaphore_mem>>)
    %dma_start3A_171 = arith.constant 13 : i32
    %dma_start3A_172 = arith.constant 0 : i32
    %dma_start3A_173 = arith.constant 13 : i32
    %dma_start3A_174 = arith.constant 0 : i32
    %dma_start3A_175 = arith.constant 0 : i32
    %dma_start3A_176 = tpu.memref_slice %arg6[%dma_start3A_172, %dma_start3A_173, %dma_start3A_174, %dma_start3A_175] : memref<2x16x26x64xf32, #tpu.memory_space<vmem>> -> memref<1x1x26x64xf32, #tpu.memory_space<vmem>>
    %dma_start3A_177 = tpu.memref_squeeze %dma_start3A_176 : memref<1x1x26x64xf32, #tpu.memory_space<vmem>> -> memref<26x64xf32, #tpu.memory_space<vmem>>
    %dma_start3A_178 = arith.constant 0 : i32
    %dma_start3A_179 = tpu.memref_slice %arg5[%dma_start3A_171, %dma_start3A_178] : memref<512x26xi32, #tpu.memory_space<vmem>> -> memref<1x26xi32, #tpu.memory_space<vmem>>
    %dma_start3A_180 = tpu.memref_squeeze %dma_start3A_179 : memref<1x26xi32, #tpu.memory_space<vmem>> -> memref<26xi32, #tpu.memory_space<vmem>>
    %dma_start3A_181 = arith.constant 0 : i32
    %dma_start3A_182 = arith.constant 0 : i32
    %dma_start3A_183 = tpu.memref_slice %arg2[%dma_start3A_181, %dma_start3A_182] : memref<1000000x64xf32, #tpu.memory_space<hbm>> -> memref<1000000x64xf32, #tpu.memory_space<hbm>>
    tpu.enqueue_indirect_dma source(%dma_start3A_183 : memref<1000000x64xf32, #tpu.memory_space<hbm>>) target(%dma_start3A_177 : memref<26x64xf32, #tpu.memory_space<vmem>>) offsets(%dma_start3A_180 : memref<26xi32, #tpu.memory_space<vmem>>) semaphore(%arg7 : memref<!tpu.dma_semaphore, #tpu.memory_space<semaphore_mem>>)
    %dma_start3A_184 = arith.constant 14 : i32
    %dma_start3A_185 = arith.constant 0 : i32
    %dma_start3A_186 = arith.constant 14 : i32
    %dma_start3A_187 = arith.constant 0 : i32
    %dma_start3A_188 = arith.constant 0 : i32
    %dma_start3A_189 = tpu.memref_slice %arg6[%dma_start3A_185, %dma_start3A_186, %dma_start3A_187, %dma_start3A_188] : memref<2x16x26x64xf32, #tpu.memory_space<vmem>> -> memref<1x1x26x64xf32, #tpu.memory_space<vmem>>
    %dma_start3A_190 = tpu.memref_squeeze %dma_start3A_189 : memref<1x1x26x64xf32, #tpu.memory_space<vmem>> -> memref<26x64xf32, #tpu.memory_space<vmem>>
    %dma_start3A_191 = arith.constant 0 : i32
    %dma_start3A_192 = tpu.memref_slice %arg5[%dma_start3A_184, %dma_start3A_191] : memref<512x26xi32, #tpu.memory_space<vmem>> -> memref<1x26xi32, #tpu.memory_space<vmem>>
    %dma_start3A_193 = tpu.memref_squeeze %dma_start3A_192 : memref<1x26xi32, #tpu.memory_space<vmem>> -> memref<26xi32, #tpu.memory_space<vmem>>
    %dma_start3A_194 = arith.constant 0 : i32
    %dma_start3A_195 = arith.constant 0 : i32
    %dma_start3A_196 = tpu.memref_slice %arg2[%dma_start3A_194, %dma_start3A_195] : memref<1000000x64xf32, #tpu.memory_space<hbm>> -> memref<1000000x64xf32, #tpu.memory_space<hbm>>
    tpu.enqueue_indirect_dma source(%dma_start3A_196 : memref<1000000x64xf32, #tpu.memory_space<hbm>>) target(%dma_start3A_190 : memref<26x64xf32, #tpu.memory_space<vmem>>) offsets(%dma_start3A_193 : memref<26xi32, #tpu.memory_space<vmem>>) semaphore(%arg7 : memref<!tpu.dma_semaphore, #tpu.memory_space<semaphore_mem>>)
    %dma_start3A_197 = arith.constant 15 : i32
    %dma_start3A_198 = arith.constant 0 : i32
    %dma_start3A_199 = arith.constant 15 : i32
    %dma_start3A_200 = arith.constant 0 : i32
    %dma_start3A_201 = arith.constant 0 : i32
    %dma_start3A_202 = tpu.memref_slice %arg6[%dma_start3A_198, %dma_start3A_199, %dma_start3A_200, %dma_start3A_201] : memref<2x16x26x64xf32, #tpu.memory_space<vmem>> -> memref<1x1x26x64xf32, #tpu.memory_space<vmem>>
    %dma_start3A_203 = tpu.memref_squeeze %dma_start3A_202 : memref<1x1x26x64xf32, #tpu.memory_space<vmem>> -> memref<26x64xf32, #tpu.memory_space<vmem>>
    %dma_start3A_204 = arith.constant 0 : i32
    %dma_start3A_205 = tpu.memref_slice %arg5[%dma_start3A_197, %dma_start3A_204] : memref<512x26xi32, #tpu.memory_space<vmem>> -> memref<1x26xi32, #tpu.memory_space<vmem>>
    %dma_start3A_206 = tpu.memref_squeeze %dma_start3A_205 : memref<1x26xi32, #tpu.memory_space<vmem>> -> memref<26xi32, #tpu.memory_space<vmem>>
    %dma_start3A_207 = arith.constant 0 : i32
    %dma_start3A_208 = arith.constant 0 : i32
    %dma_start3A_209 = tpu.memref_slice %arg2[%dma_start3A_207, %dma_start3A_208] : memref<1000000x64xf32, #tpu.memory_space<hbm>> -> memref<1000000x64xf32, #tpu.memory_space<hbm>>
    tpu.enqueue_indirect_dma source(%dma_start3A_209 : memref<1000000x64xf32, #tpu.memory_space<hbm>>) target(%dma_start3A_203 : memref<26x64xf32, #tpu.memory_space<vmem>>) offsets(%dma_start3A_206 : memref<26xi32, #tpu.memory_space<vmem>>) semaphore(%arg7 : memref<!tpu.dma_semaphore, #tpu.memory_space<semaphore_mem>>)
    %scan3A = arith.constant 0 : i32
    %scan3A_210 = arith.constant 0 : i32
    %scan3A_211 = arith.constant 16 : i32
    %scan3A_212 = arith.addi %scan3A_210, %scan3A_211 : i32
    %scan3A_213 = arith.constant 1 : i32
    scf.for %scan3A_233 = %scan3A_210 to %scan3A_212 step %scan3A_213  : i32 {
      %mul3A_234 = arith.constant 2 : i32
      %mul3A_235 = arith.muli %mul3A_234, %scan3A_233 : i32
      %dma_wait3A_236 = arith.constant 0 : i32
      %dma_wait3A_237 = arith.constant 0 : i32
      %dma_wait3A_238 = arith.constant 0 : i32
      %dma_wait3A_239 = arith.constant 0 : i32
      %dma_wait3A_240 = arith.constant 0 : i32
      %dma_wait3A_241 = tpu.memref_slice %arg6[%dma_wait3A_237, %dma_wait3A_238, %dma_wait3A_239, %dma_wait3A_240] : memref<2x16x26x64xf32, #tpu.memory_space<vmem>> -> memref<1x1x26x64xf32, #tpu.memory_space<vmem>>
      %dma_wait3A_242 = tpu.memref_squeeze %dma_wait3A_241 : memref<1x1x26x64xf32, #tpu.memory_space<vmem>> -> memref<26x64xf32, #tpu.memory_space<vmem>>
      %dma_wait3A_243 = arith.constant 0 : i32
      %dma_wait3A_244 = tpu.memref_slice %arg5[%dma_wait3A_236, %dma_wait3A_243] : memref<512x26xi32, #tpu.memory_space<vmem>> -> memref<1x26xi32, #tpu.memory_space<vmem>>
      %dma_wait3A_245 = tpu.memref_squeeze %dma_wait3A_244 : memref<1x26xi32, #tpu.memory_space<vmem>> -> memref<26xi32, #tpu.memory_space<vmem>>
      %dma_wait3A_246 = arith.constant 0 : i32
      %dma_wait3A_247 = arith.constant 0 : i32
      %dma_wait3A_248 = tpu.memref_slice %arg2[%dma_wait3A_246, %dma_wait3A_247] : memref<1000000x64xf32, #tpu.memory_space<hbm>> -> memref<1000000x64xf32, #tpu.memory_space<hbm>>
      tpu.wait_indirect_dma semaphore(%arg7 : memref<!tpu.dma_semaphore, #tpu.memory_space<semaphore_mem>>) src(%dma_wait3A_248 : memref<1000000x64xf32, #tpu.memory_space<hbm>>) dst(%dma_wait3A_242 : memref<26x64xf32, #tpu.memory_space<vmem>>)
      %dma_wait3A_249 = arith.constant 0 : i32
      %dma_wait3A_250 = arith.constant 0 : i32
      %dma_wait3A_251 = arith.constant 1 : i32
      %dma_wait3A_252 = arith.constant 0 : i32
      %dma_wait3A_253 = arith.constant 0 : i32
      %dma_wait3A_254 = tpu.memref_slice %arg6[%dma_wait3A_250, %dma_wait3A_251, %dma_wait3A_252, %dma_wait3A_253] : memref<2x16x26x64xf32, #tpu.memory_space<vmem>> -> memref<1x1x26x64xf32, #tpu.memory_space<vmem>>
      %dma_wait3A_255 = tpu.memref_squeeze %dma_wait3A_254 : memref<1x1x26x64xf32, #tpu.memory_space<vmem>> -> memref<26x64xf32, #tpu.memory_space<vmem>>
      %dma_wait3A_256 = arith.constant 0 : i32
      %dma_wait3A_257 = tpu.memref_slice %arg5[%dma_wait3A_249, %dma_wait3A_256] : memref<512x26xi32, #tpu.memory_space<vmem>> -> memref<1x26xi32, #tpu.memory_space<vmem>>
      %dma_wait3A_258 = tpu.memref_squeeze %dma_wait3A_257 : memref<1x26xi32, #tpu.memory_space<vmem>> -> memref<26xi32, #tpu.memory_space<vmem>>
      %dma_wait3A_259 = arith.constant 0 : i32
      %dma_wait3A_260 = arith.constant 0 : i32
      %dma_wait3A_261 = tpu.memref_slice %arg2[%dma_wait3A_259, %dma_wait3A_260] : memref<1000000x64xf32, #tpu.memory_space<hbm>> -> memref<1000000x64xf32, #tpu.memory_space<hbm>>
      tpu.wait_indirect_dma semaphore(%arg7 : memref<!tpu.dma_semaphore, #tpu.memory_space<semaphore_mem>>) src(%dma_wait3A_261 : memref<1000000x64xf32, #tpu.memory_space<hbm>>) dst(%dma_wait3A_255 : memref<26x64xf32, #tpu.memory_space<vmem>>)
      %dma_wait3A_262 = arith.constant 0 : i32
      %dma_wait3A_263 = arith.constant 0 : i32
      %dma_wait3A_264 = arith.constant 2 : i32
      %dma_wait3A_265 = arith.constant 0 : i32
      %dma_wait3A_266 = arith.constant 0 : i32
      %dma_wait3A_267 = tpu.memref_slice %arg6[%dma_wait3A_263, %dma_wait3A_264, %dma_wait3A_265, %dma_wait3A_266] : memref<2x16x26x64xf32, #tpu.memory_space<vmem>> -> memref<1x1x26x64xf32, #tpu.memory_space<vmem>>
      %dma_wait3A_268 = tpu.memref_squeeze %dma_wait3A_267 : memref<1x1x26x64xf32, #tpu.memory_space<vmem>> -> memref<26x64xf32, #tpu.memory_space<vmem>>
      %dma_wait3A_269 = arith.constant 0 : i32
      %dma_wait3A_270 = tpu.memref_slice %arg5[%dma_wait3A_262, %dma_wait3A_269] : memref<512x26xi32, #tpu.memory_space<vmem>> -> memref<1x26xi32, #tpu.memory_space<vmem>>
      %dma_wait3A_271 = tpu.memref_squeeze %dma_wait3A_270 : memref<1x26xi32, #tpu.memory_space<vmem>> -> memref<26xi32, #tpu.memory_space<vmem>>
      %dma_wait3A_272 = arith.constant 0 : i32
      %dma_wait3A_273 = arith.constant 0 : i32
      %dma_wait3A_274 = tpu.memref_slice %arg2[%dma_wait3A_272, %dma_wait3A_273] : memref<1000000x64xf32, #tpu.memory_space<hbm>> -> memref<1000000x64xf32, #tpu.memory_space<hbm>>
      tpu.wait_indirect_dma semaphore(%arg7 : memref<!tpu.dma_semaphore, #tpu.memory_space<semaphore_mem>>) src(%dma_wait3A_274 : memref<1000000x64xf32, #tpu.memory_space<hbm>>) dst(%dma_wait3A_268 : memref<26x64xf32, #tpu.memory_space<vmem>>)
      %dma_wait3A_275 = arith.constant 0 : i32
      %dma_wait3A_276 = arith.constant 0 : i32
      %dma_wait3A_277 = arith.constant 3 : i32
      %dma_wait3A_278 = arith.constant 0 : i32
      %dma_wait3A_279 = arith.constant 0 : i32
      %dma_wait3A_280 = tpu.memref_slice %arg6[%dma_wait3A_276, %dma_wait3A_277, %dma_wait3A_278, %dma_wait3A_279] : memref<2x16x26x64xf32, #tpu.memory_space<vmem>> -> memref<1x1x26x64xf32, #tpu.memory_space<vmem>>
      %dma_wait3A_281 = tpu.memref_squeeze %dma_wait3A_280 : memref<1x1x26x64xf32, #tpu.memory_space<vmem>> -> memref<26x64xf32, #tpu.memory_space<vmem>>
      %dma_wait3A_282 = arith.constant 0 : i32
      %dma_wait3A_283 = tpu.memref_slice %arg5[%dma_wait3A_275, %dma_wait3A_282] : memref<512x26xi32, #tpu.memory_space<vmem>> -> memref<1x26xi32, #tpu.memory_space<vmem>>
      %dma_wait3A_284 = tpu.memref_squeeze %dma_wait3A_283 : memref<1x26xi32, #tpu.memory_space<vmem>> -> memref<26xi32, #tpu.memory_space<vmem>>
      %dma_wait3A_285 = arith.constant 0 : i32
      %dma_wait3A_286 = arith.constant 0 : i32
      %dma_wait3A_287 = tpu.memref_slice %arg2[%dma_wait3A_285, %dma_wait3A_286] : memref<1000000x64xf32, #tpu.memory_space<hbm>> -> memref<1000000x64xf32, #tpu.memory_space<hbm>>
      tpu.wait_indirect_dma semaphore(%arg7 : memref<!tpu.dma_semaphore, #tpu.memory_space<semaphore_mem>>) src(%dma_wait3A_287 : memref<1000000x64xf32, #tpu.memory_space<hbm>>) dst(%dma_wait3A_281 : memref<26x64xf32, #tpu.memory_space<vmem>>)
      %dma_wait3A_288 = arith.constant 0 : i32
      %dma_wait3A_289 = arith.constant 0 : i32
      %dma_wait3A_290 = arith.constant 4 : i32
      %dma_wait3A_291 = arith.constant 0 : i32
      %dma_wait3A_292 = arith.constant 0 : i32
      %dma_wait3A_293 = tpu.memref_slice %arg6[%dma_wait3A_289, %dma_wait3A_290, %dma_wait3A_291, %dma_wait3A_292] : memref<2x16x26x64xf32, #tpu.memory_space<vmem>> -> memref<1x1x26x64xf32, #tpu.memory_space<vmem>>
      %dma_wait3A_294 = tpu.memref_squeeze %dma_wait3A_293 : memref<1x1x26x64xf32, #tpu.memory_space<vmem>> -> memref<26x64xf32, #tpu.memory_space<vmem>>
      %dma_wait3A_295 = arith.constant 0 : i32
      %dma_wait3A_296 = tpu.memref_slice %arg5[%dma_wait3A_288, %dma_wait3A_295] : memref<512x26xi32, #tpu.memory_space<vmem>> -> memref<1x26xi32, #tpu.memory_space<vmem>>
      %dma_wait3A_297 = tpu.memref_squeeze %dma_wait3A_296 : memref<1x26xi32, #tpu.memory_space<vmem>> -> memref<26xi32, #tpu.memory_space<vmem>>
      %dma_wait3A_298 = arith.constant 0 : i32
      %dma_wait3A_299 = arith.constant 0 : i32
      %dma_wait3A_300 = tpu.memref_slice %arg2[%dma_wait3A_298, %dma_wait3A_299] : memref<1000000x64xf32, #tpu.memory_space<hbm>> -> memref<1000000x64xf32, #tpu.memory_space<hbm>>
      tpu.wait_indirect_dma semaphore(%arg7 : memref<!tpu.dma_semaphore, #tpu.memory_space<semaphore_mem>>) src(%dma_wait3A_300 : memref<1000000x64xf32, #tpu.memory_space<hbm>>) dst(%dma_wait3A_294 : memref<26x64xf32, #tpu.memory_space<vmem>>)
      %dma_wait3A_301 = arith.constant 0 : i32
      %dma_wait3A_302 = arith.constant 0 : i32
      %dma_wait3A_303 = arith.constant 5 : i32
      %dma_wait3A_304 = arith.constant 0 : i32
      %dma_wait3A_305 = arith.constant 0 : i32
      %dma_wait3A_306 = tpu.memref_slice %arg6[%dma_wait3A_302, %dma_wait3A_303, %dma_wait3A_304, %dma_wait3A_305] : memref<2x16x26x64xf32, #tpu.memory_space<vmem>> -> memref<1x1x26x64xf32, #tpu.memory_space<vmem>>
      %dma_wait3A_307 = tpu.memref_squeeze %dma_wait3A_306 : memref<1x1x26x64xf32, #tpu.memory_space<vmem>> -> memref<26x64xf32, #tpu.memory_space<vmem>>
      %dma_wait3A_308 = arith.constant 0 : i32
      %dma_wait3A_309 = tpu.memref_slice %arg5[%dma_wait3A_301, %dma_wait3A_308] : memref<512x26xi32, #tpu.memory_space<vmem>> -> memref<1x26xi32, #tpu.memory_space<vmem>>
      %dma_wait3A_310 = tpu.memref_squeeze %dma_wait3A_309 : memref<1x26xi32, #tpu.memory_space<vmem>> -> memref<26xi32, #tpu.memory_space<vmem>>
      %dma_wait3A_311 = arith.constant 0 : i32
      %dma_wait3A_312 = arith.constant 0 : i32
      %dma_wait3A_313 = tpu.memref_slice %arg2[%dma_wait3A_311, %dma_wait3A_312] : memref<1000000x64xf32, #tpu.memory_space<hbm>> -> memref<1000000x64xf32, #tpu.memory_space<hbm>>
      tpu.wait_indirect_dma semaphore(%arg7 : memref<!tpu.dma_semaphore, #tpu.memory_space<semaphore_mem>>) src(%dma_wait3A_313 : memref<1000000x64xf32, #tpu.memory_space<hbm>>) dst(%dma_wait3A_307 : memref<26x64xf32, #tpu.memory_space<vmem>>)
      %dma_wait3A_314 = arith.constant 0 : i32
      %dma_wait3A_315 = arith.constant 0 : i32
      %dma_wait3A_316 = arith.constant 6 : i32
      %dma_wait3A_317 = arith.constant 0 : i32
      %dma_wait3A_318 = arith.constant 0 : i32
      %dma_wait3A_319 = tpu.memref_slice %arg6[%dma_wait3A_315, %dma_wait3A_316, %dma_wait3A_317, %dma_wait3A_318] : memref<2x16x26x64xf32, #tpu.memory_space<vmem>> -> memref<1x1x26x64xf32, #tpu.memory_space<vmem>>
      %dma_wait3A_320 = tpu.memref_squeeze %dma_wait3A_319 : memref<1x1x26x64xf32, #tpu.memory_space<vmem>> -> memref<26x64xf32, #tpu.memory_space<vmem>>
      %dma_wait3A_321 = arith.constant 0 : i32
      %dma_wait3A_322 = tpu.memref_slice %arg5[%dma_wait3A_314, %dma_wait3A_321] : memref<512x26xi32, #tpu.memory_space<vmem>> -> memref<1x26xi32, #tpu.memory_space<vmem>>
      %dma_wait3A_323 = tpu.memref_squeeze %dma_wait3A_322 : memref<1x26xi32, #tpu.memory_space<vmem>> -> memref<26xi32, #tpu.memory_space<vmem>>
      %dma_wait3A_324 = arith.constant 0 : i32
      %dma_wait3A_325 = arith.constant 0 : i32
      %dma_wait3A_326 = tpu.memref_slice %arg2[%dma_wait3A_324, %dma_wait3A_325] : memref<1000000x64xf32, #tpu.memory_space<hbm>> -> memref<1000000x64xf32, #tpu.memory_space<hbm>>
      tpu.wait_indirect_dma semaphore(%arg7 : memref<!tpu.dma_semaphore, #tpu.memory_space<semaphore_mem>>) src(%dma_wait3A_326 : memref<1000000x64xf32, #tpu.memory_space<hbm>>) dst(%dma_wait3A_320 : memref<26x64xf32, #tpu.memory_space<vmem>>)
      %dma_wait3A_327 = arith.constant 0 : i32
      %dma_wait3A_328 = arith.constant 0 : i32
      %dma_wait3A_329 = arith.constant 7 : i32
      %dma_wait3A_330 = arith.constant 0 : i32
      %dma_wait3A_331 = arith.constant 0 : i32
      %dma_wait3A_332 = tpu.memref_slice %arg6[%dma_wait3A_328, %dma_wait3A_329, %dma_wait3A_330, %dma_wait3A_331] : memref<2x16x26x64xf32, #tpu.memory_space<vmem>> -> memref<1x1x26x64xf32, #tpu.memory_space<vmem>>
      %dma_wait3A_333 = tpu.memref_squeeze %dma_wait3A_332 : memref<1x1x26x64xf32, #tpu.memory_space<vmem>> -> memref<26x64xf32, #tpu.memory_space<vmem>>
      %dma_wait3A_334 = arith.constant 0 : i32
      %dma_wait3A_335 = tpu.memref_slice %arg5[%dma_wait3A_327, %dma_wait3A_334] : memref<512x26xi32, #tpu.memory_space<vmem>> -> memref<1x26xi32, #tpu.memory_space<vmem>>
      %dma_wait3A_336 = tpu.memref_squeeze %dma_wait3A_335 : memref<1x26xi32, #tpu.memory_space<vmem>> -> memref<26xi32, #tpu.memory_space<vmem>>
      %dma_wait3A_337 = arith.constant 0 : i32
      %dma_wait3A_338 = arith.constant 0 : i32
      %dma_wait3A_339 = tpu.memref_slice %arg2[%dma_wait3A_337, %dma_wait3A_338] : memref<1000000x64xf32, #tpu.memory_space<hbm>> -> memref<1000000x64xf32, #tpu.memory_space<hbm>>
      tpu.wait_indirect_dma semaphore(%arg7 : memref<!tpu.dma_semaphore, #tpu.memory_space<semaphore_mem>>) src(%dma_wait3A_339 : memref<1000000x64xf32, #tpu.memory_space<hbm>>) dst(%dma_wait3A_333 : memref<26x64xf32, #tpu.memory_space<vmem>>)
      %dma_wait3A_340 = arith.constant 0 : i32
      %dma_wait3A_341 = arith.constant 0 : i32
      %dma_wait3A_342 = arith.constant 8 : i32
      %dma_wait3A_343 = arith.constant 0 : i32
      %dma_wait3A_344 = arith.constant 0 : i32
      %dma_wait3A_345 = tpu.memref_slice %arg6[%dma_wait3A_341, %dma_wait3A_342, %dma_wait3A_343, %dma_wait3A_344] : memref<2x16x26x64xf32, #tpu.memory_space<vmem>> -> memref<1x1x26x64xf32, #tpu.memory_space<vmem>>
      %dma_wait3A_346 = tpu.memref_squeeze %dma_wait3A_345 : memref<1x1x26x64xf32, #tpu.memory_space<vmem>> -> memref<26x64xf32, #tpu.memory_space<vmem>>
      %dma_wait3A_347 = arith.constant 0 : i32
      %dma_wait3A_348 = tpu.memref_slice %arg5[%dma_wait3A_340, %dma_wait3A_347] : memref<512x26xi32, #tpu.memory_space<vmem>> -> memref<1x26xi32, #tpu.memory_space<vmem>>
      %dma_wait3A_349 = tpu.memref_squeeze %dma_wait3A_348 : memref<1x26xi32, #tpu.memory_space<vmem>> -> memref<26xi32, #tpu.memory_space<vmem>>
      %dma_wait3A_350 = arith.constant 0 : i32
      %dma_wait3A_351 = arith.constant 0 : i32
      %dma_wait3A_352 = tpu.memref_slice %arg2[%dma_wait3A_350, %dma_wait3A_351] : memref<1000000x64xf32, #tpu.memory_space<hbm>> -> memref<1000000x64xf32, #tpu.memory_space<hbm>>
      tpu.wait_indirect_dma semaphore(%arg7 : memref<!tpu.dma_semaphore, #tpu.memory_space<semaphore_mem>>) src(%dma_wait3A_352 : memref<1000000x64xf32, #tpu.memory_space<hbm>>) dst(%dma_wait3A_346 : memref<26x64xf32, #tpu.memory_space<vmem>>)
      %dma_wait3A_353 = arith.constant 0 : i32
      %dma_wait3A_354 = arith.constant 0 : i32
      %dma_wait3A_355 = arith.constant 9 : i32
      %dma_wait3A_356 = arith.constant 0 : i32
      %dma_wait3A_357 = arith.constant 0 : i32
      %dma_wait3A_358 = tpu.memref_slice %arg6[%dma_wait3A_354, %dma_wait3A_355, %dma_wait3A_356, %dma_wait3A_357] : memref<2x16x26x64xf32, #tpu.memory_space<vmem>> -> memref<1x1x26x64xf32, #tpu.memory_space<vmem>>
      %dma_wait3A_359 = tpu.memref_squeeze %dma_wait3A_358 : memref<1x1x26x64xf32, #tpu.memory_space<vmem>> -> memref<26x64xf32, #tpu.memory_space<vmem>>
      %dma_wait3A_360 = arith.constant 0 : i32
      %dma_wait3A_361 = tpu.memref_slice %arg5[%dma_wait3A_353, %dma_wait3A_360] : memref<512x26xi32, #tpu.memory_space<vmem>> -> memref<1x26xi32, #tpu.memory_space<vmem>>
      %dma_wait3A_362 = tpu.memref_squeeze %dma_wait3A_361 : memref<1x26xi32, #tpu.memory_space<vmem>> -> memref<26xi32, #tpu.memory_space<vmem>>
      %dma_wait3A_363 = arith.constant 0 : i32
      %dma_wait3A_364 = arith.constant 0 : i32
      %dma_wait3A_365 = tpu.memref_slice %arg2[%dma_wait3A_363, %dma_wait3A_364] : memref<1000000x64xf32, #tpu.memory_space<hbm>> -> memref<1000000x64xf32, #tpu.memory_space<hbm>>
      tpu.wait_indirect_dma semaphore(%arg7 : memref<!tpu.dma_semaphore, #tpu.memory_space<semaphore_mem>>) src(%dma_wait3A_365 : memref<1000000x64xf32, #tpu.memory_space<hbm>>) dst(%dma_wait3A_359 : memref<26x64xf32, #tpu.memory_space<vmem>>)
      %dma_wait3A_366 = arith.constant 0 : i32
      %dma_wait3A_367 = arith.constant 0 : i32
      %dma_wait3A_368 = arith.constant 10 : i32
      %dma_wait3A_369 = arith.constant 0 : i32
      %dma_wait3A_370 = arith.constant 0 : i32
      %dma_wait3A_371 = tpu.memref_slice %arg6[%dma_wait3A_367, %dma_wait3A_368, %dma_wait3A_369, %dma_wait3A_370] : memref<2x16x26x64xf32, #tpu.memory_space<vmem>> -> memref<1x1x26x64xf32, #tpu.memory_space<vmem>>
      %dma_wait3A_372 = tpu.memref_squeeze %dma_wait3A_371 : memref<1x1x26x64xf32, #tpu.memory_space<vmem>> -> memref<26x64xf32, #tpu.memory_space<vmem>>
      %dma_wait3A_373 = arith.constant 0 : i32
      %dma_wait3A_374 = tpu.memref_slice %arg5[%dma_wait3A_366, %dma_wait3A_373] : memref<512x26xi32, #tpu.memory_space<vmem>> -> memref<1x26xi32, #tpu.memory_space<vmem>>
      %dma_wait3A_375 = tpu.memref_squeeze %dma_wait3A_374 : memref<1x26xi32, #tpu.memory_space<vmem>> -> memref<26xi32, #tpu.memory_space<vmem>>
      %dma_wait3A_376 = arith.constant 0 : i32
      %dma_wait3A_377 = arith.constant 0 : i32
      %dma_wait3A_378 = tpu.memref_slice %arg2[%dma_wait3A_376, %dma_wait3A_377] : memref<1000000x64xf32, #tpu.memory_space<hbm>> -> memref<1000000x64xf32, #tpu.memory_space<hbm>>
      tpu.wait_indirect_dma semaphore(%arg7 : memref<!tpu.dma_semaphore, #tpu.memory_space<semaphore_mem>>) src(%dma_wait3A_378 : memref<1000000x64xf32, #tpu.memory_space<hbm>>) dst(%dma_wait3A_372 : memref<26x64xf32, #tpu.memory_space<vmem>>)
      %dma_wait3A_379 = arith.constant 0 : i32
      %dma_wait3A_380 = arith.constant 0 : i32
      %dma_wait3A_381 = arith.constant 11 : i32
      %dma_wait3A_382 = arith.constant 0 : i32
      %dma_wait3A_383 = arith.constant 0 : i32
      %dma_wait3A_384 = tpu.memref_slice %arg6[%dma_wait3A_380, %dma_wait3A_381, %dma_wait3A_382, %dma_wait3A_383] : memref<2x16x26x64xf32, #tpu.memory_space<vmem>> -> memref<1x1x26x64xf32, #tpu.memory_space<vmem>>
      %dma_wait3A_385 = tpu.memref_squeeze %dma_wait3A_384 : memref<1x1x26x64xf32, #tpu.memory_space<vmem>> -> memref<26x64xf32, #tpu.memory_space<vmem>>
      %dma_wait3A_386 = arith.constant 0 : i32
      %dma_wait3A_387 = tpu.memref_slice %arg5[%dma_wait3A_379, %dma_wait3A_386] : memref<512x26xi32, #tpu.memory_space<vmem>> -> memref<1x26xi32, #tpu.memory_space<vmem>>
      %dma_wait3A_388 = tpu.memref_squeeze %dma_wait3A_387 : memref<1x26xi32, #tpu.memory_space<vmem>> -> memref<26xi32, #tpu.memory_space<vmem>>
      %dma_wait3A_389 = arith.constant 0 : i32
      %dma_wait3A_390 = arith.constant 0 : i32
      %dma_wait3A_391 = tpu.memref_slice %arg2[%dma_wait3A_389, %dma_wait3A_390] : memref<1000000x64xf32, #tpu.memory_space<hbm>> -> memref<1000000x64xf32, #tpu.memory_space<hbm>>
      tpu.wait_indirect_dma semaphore(%arg7 : memref<!tpu.dma_semaphore, #tpu.memory_space<semaphore_mem>>) src(%dma_wait3A_391 : memref<1000000x64xf32, #tpu.memory_space<hbm>>) dst(%dma_wait3A_385 : memref<26x64xf32, #tpu.memory_space<vmem>>)
      %dma_wait3A_392 = arith.constant 0 : i32
      %dma_wait3A_393 = arith.constant 0 : i32
      %dma_wait3A_394 = arith.constant 12 : i32
      %dma_wait3A_395 = arith.constant 0 : i32
      %dma_wait3A_396 = arith.constant 0 : i32
      %dma_wait3A_397 = tpu.memref_slice %arg6[%dma_wait3A_393, %dma_wait3A_394, %dma_wait3A_395, %dma_wait3A_396] : memref<2x16x26x64xf32, #tpu.memory_space<vmem>> -> memref<1x1x26x64xf32, #tpu.memory_space<vmem>>
      %dma_wait3A_398 = tpu.memref_squeeze %dma_wait3A_397 : memref<1x1x26x64xf32, #tpu.memory_space<vmem>> -> memref<26x64xf32, #tpu.memory_space<vmem>>
      %dma_wait3A_399 = arith.constant 0 : i32
      %dma_wait3A_400 = tpu.memref_slice %arg5[%dma_wait3A_392, %dma_wait3A_399] : memref<512x26xi32, #tpu.memory_space<vmem>> -> memref<1x26xi32, #tpu.memory_space<vmem>>
      %dma_wait3A_401 = tpu.memref_squeeze %dma_wait3A_400 : memref<1x26xi32, #tpu.memory_space<vmem>> -> memref<26xi32, #tpu.memory_space<vmem>>
      %dma_wait3A_402 = arith.constant 0 : i32
      %dma_wait3A_403 = arith.constant 0 : i32
      %dma_wait3A_404 = tpu.memref_slice %arg2[%dma_wait3A_402, %dma_wait3A_403] : memref<1000000x64xf32, #tpu.memory_space<hbm>> -> memref<1000000x64xf32, #tpu.memory_space<hbm>>
      tpu.wait_indirect_dma semaphore(%arg7 : memref<!tpu.dma_semaphore, #tpu.memory_space<semaphore_mem>>) src(%dma_wait3A_404 : memref<1000000x64xf32, #tpu.memory_space<hbm>>) dst(%dma_wait3A_398 : memref<26x64xf32, #tpu.memory_space<vmem>>)
      %dma_wait3A_405 = arith.constant 0 : i32
      %dma_wait3A_406 = arith.constant 0 : i32
      %dma_wait3A_407 = arith.constant 13 : i32
      %dma_wait3A_408 = arith.constant 0 : i32
      %dma_wait3A_409 = arith.constant 0 : i32
      %dma_wait3A_410 = tpu.memref_slice %arg6[%dma_wait3A_406, %dma_wait3A_407, %dma_wait3A_408, %dma_wait3A_409] : memref<2x16x26x64xf32, #tpu.memory_space<vmem>> -> memref<1x1x26x64xf32, #tpu.memory_space<vmem>>
      %dma_wait3A_411 = tpu.memref_squeeze %dma_wait3A_410 : memref<1x1x26x64xf32, #tpu.memory_space<vmem>> -> memref<26x64xf32, #tpu.memory_space<vmem>>
      %dma_wait3A_412 = arith.constant 0 : i32
      %dma_wait3A_413 = tpu.memref_slice %arg5[%dma_wait3A_405, %dma_wait3A_412] : memref<512x26xi32, #tpu.memory_space<vmem>> -> memref<1x26xi32, #tpu.memory_space<vmem>>
      %dma_wait3A_414 = tpu.memref_squeeze %dma_wait3A_413 : memref<1x26xi32, #tpu.memory_space<vmem>> -> memref<26xi32, #tpu.memory_space<vmem>>
      %dma_wait3A_415 = arith.constant 0 : i32
      %dma_wait3A_416 = arith.constant 0 : i32
      %dma_wait3A_417 = tpu.memref_slice %arg2[%dma_wait3A_415, %dma_wait3A_416] : memref<1000000x64xf32, #tpu.memory_space<hbm>> -> memref<1000000x64xf32, #tpu.memory_space<hbm>>
      tpu.wait_indirect_dma semaphore(%arg7 : memref<!tpu.dma_semaphore, #tpu.memory_space<semaphore_mem>>) src(%dma_wait3A_417 : memref<1000000x64xf32, #tpu.memory_space<hbm>>) dst(%dma_wait3A_411 : memref<26x64xf32, #tpu.memory_space<vmem>>)
      %dma_wait3A_418 = arith.constant 0 : i32
      %dma_wait3A_419 = arith.constant 0 : i32
      %dma_wait3A_420 = arith.constant 14 : i32
      %dma_wait3A_421 = arith.constant 0 : i32
      %dma_wait3A_422 = arith.constant 0 : i32
      %dma_wait3A_423 = tpu.memref_slice %arg6[%dma_wait3A_419, %dma_wait3A_420, %dma_wait3A_421, %dma_wait3A_422] : memref<2x16x26x64xf32, #tpu.memory_space<vmem>> -> memref<1x1x26x64xf32, #tpu.memory_space<vmem>>
      %dma_wait3A_424 = tpu.memref_squeeze %dma_wait3A_423 : memref<1x1x26x64xf32, #tpu.memory_space<vmem>> -> memref<26x64xf32, #tpu.memory_space<vmem>>
      %dma_wait3A_425 = arith.constant 0 : i32
      %dma_wait3A_426 = tpu.memref_slice %arg5[%dma_wait3A_418, %dma_wait3A_425] : memref<512x26xi32, #tpu.memory_space<vmem>> -> memref<1x26xi32, #tpu.memory_space<vmem>>
      %dma_wait3A_427 = tpu.memref_squeeze %dma_wait3A_426 : memref<1x26xi32, #tpu.memory_space<vmem>> -> memref<26xi32, #tpu.memory_space<vmem>>
      %dma_wait3A_428 = arith.constant 0 : i32
      %dma_wait3A_429 = arith.constant 0 : i32
      %dma_wait3A_430 = tpu.memref_slice %arg2[%dma_wait3A_428, %dma_wait3A_429] : memref<1000000x64xf32, #tpu.memory_space<hbm>> -> memref<1000000x64xf32, #tpu.memory_space<hbm>>
      tpu.wait_indirect_dma semaphore(%arg7 : memref<!tpu.dma_semaphore, #tpu.memory_space<semaphore_mem>>) src(%dma_wait3A_430 : memref<1000000x64xf32, #tpu.memory_space<hbm>>) dst(%dma_wait3A_424 : memref<26x64xf32, #tpu.memory_space<vmem>>)
      %dma_wait3A_431 = arith.constant 0 : i32
      %dma_wait3A_432 = arith.constant 0 : i32
      %dma_wait3A_433 = arith.constant 15 : i32
      %dma_wait3A_434 = arith.constant 0 : i32
      %dma_wait3A_435 = arith.constant 0 : i32
      %dma_wait3A_436 = tpu.memref_slice %arg6[%dma_wait3A_432, %dma_wait3A_433, %dma_wait3A_434, %dma_wait3A_435] : memref<2x16x26x64xf32, #tpu.memory_space<vmem>> -> memref<1x1x26x64xf32, #tpu.memory_space<vmem>>
      %dma_wait3A_437 = tpu.memref_squeeze %dma_wait3A_436 : memref<1x1x26x64xf32, #tpu.memory_space<vmem>> -> memref<26x64xf32, #tpu.memory_space<vmem>>
      %dma_wait3A_438 = arith.constant 0 : i32
      %dma_wait3A_439 = tpu.memref_slice %arg5[%dma_wait3A_431, %dma_wait3A_438] : memref<512x26xi32, #tpu.memory_space<vmem>> -> memref<1x26xi32, #tpu.memory_space<vmem>>
      %dma_wait3A_440 = tpu.memref_squeeze %dma_wait3A_439 : memref<1x26xi32, #tpu.memory_space<vmem>> -> memref<26xi32, #tpu.memory_space<vmem>>
      %dma_wait3A_441 = arith.constant 0 : i32
      %dma_wait3A_442 = arith.constant 0 : i32
      %dma_wait3A_443 = tpu.memref_slice %arg2[%dma_wait3A_441, %dma_wait3A_442] : memref<1000000x64xf32, #tpu.memory_space<hbm>> -> memref<1000000x64xf32, #tpu.memory_space<hbm>>
      tpu.wait_indirect_dma semaphore(%arg7 : memref<!tpu.dma_semaphore, #tpu.memory_space<semaphore_mem>>) src(%dma_wait3A_443 : memref<1000000x64xf32, #tpu.memory_space<hbm>>) dst(%dma_wait3A_437 : memref<26x64xf32, #tpu.memory_space<vmem>>)
      %mul3A_444 = arith.constant 16 : i32
      %mul3A_445 = arith.muli %mul3A_235, %mul3A_444 : i32
      %add3A_446 = arith.addi %mul3A_2, %mul3A_445 : i32
      %dma_start3A_447 = arith.constant 0 : i32
      %dma_start3A_448 = arith.constant 0 : i32
      %dma_start3A_449 = arith.constant 0 : i32
      %dma_start3A_450 = arith.constant 0 : i32
      %dma_start3A_451 = tpu.memref_slice %arg6[%dma_start3A_447, %dma_start3A_448, %dma_start3A_449, %dma_start3A_450] : memref<2x16x26x64xf32, #tpu.memory_space<vmem>> -> memref<1x16x26x64xf32, #tpu.memory_space<vmem>>
      %dma_start3A_452 = tpu.memref_squeeze %dma_start3A_451 : memref<1x16x26x64xf32, #tpu.memory_space<vmem>> -> memref<16x26x64xf32, #tpu.memory_space<vmem>>
      %dma_start3A_453 = arith.constant 0 : i32
      %dma_start3A_454 = arith.constant 0 : i32
      %dma_start3A_455 = tpu.memref_slice %arg4[%add3A_446, %dma_start3A_453, %dma_start3A_454] : memref<16384x26x64xf32, #tpu.memory_space<hbm>> -> memref<16x26x64xf32, #tpu.memory_space<hbm>>
      %dma_start3A_456 = arith.constant 0 : i32
      %dma_start3A_457 = arith.constant 0 : i32
      %dma_start3A_458 = tpu.memref_slice %arg4[%add3A_446, %dma_start3A_456, %dma_start3A_457] : memref<16384x26x64xf32, #tpu.memory_space<hbm>> -> memref<16x26x64xf32, #tpu.memory_space<hbm>>
      %dma_start3A_459 = arith.constant 0 : i32
      %dma_start3A_460 = arith.constant 0 : i32
      %dma_start3A_461 = arith.constant 0 : i32
      %dma_start3A_462 = tpu.memref_slice %arg6[%dma_start3A_447, %dma_start3A_459, %dma_start3A_460, %dma_start3A_461] : memref<2x16x26x64xf32, #tpu.memory_space<vmem>> -> memref<1x16x26x64xf32, #tpu.memory_space<vmem>>
      %dma_start3A_463 = tpu.memref_squeeze %dma_start3A_462 : memref<1x16x26x64xf32, #tpu.memory_space<vmem>> -> memref<16x26x64xf32, #tpu.memory_space<vmem>>
      tpu.enqueue_dma source(%dma_start3A_463 : memref<16x26x64xf32, #tpu.memory_space<vmem>>) target(%dma_start3A_458 : memref<16x26x64xf32, #tpu.memory_space<hbm>>) target_semaphore(%arg9 : memref<!tpu.dma_semaphore, #tpu.memory_space<semaphore_mem>>)
      %gt3A = arith.constant 0 : i32
      %gt3A_464 = arith.cmpi sgt, %scan3A_233, %gt3A : i32
      %convert_element_type3A = arith.extui %gt3A_464 : i1 to i32
      %cond3A = arith.constant 0 : i32
      %cond3A_465 = arith.cmpi ne, %convert_element_type3A, %cond3A : i32
      scf.if %cond3A_465 {
        %dma_wait3A_977 = arith.constant 1 : i32
        %dma_wait3A_978 = arith.constant 0 : i32
        %dma_wait3A_979 = arith.constant 0 : i32
        %dma_wait3A_980 = arith.constant 0 : i32
        %dma_wait3A_981 = tpu.memref_slice %arg6[%dma_wait3A_977, %dma_wait3A_978, %dma_wait3A_979, %dma_wait3A_980] : memref<2x16x26x64xf32, #tpu.memory_space<vmem>> -> memref<1x16x26x64xf32, #tpu.memory_space<vmem>>
        %dma_wait3A_982 = tpu.memref_squeeze %dma_wait3A_981 : memref<1x16x26x64xf32, #tpu.memory_space<vmem>> -> memref<16x26x64xf32, #tpu.memory_space<vmem>>
        %dma_wait3A_983 = arith.constant 0 : i32
        %dma_wait3A_984 = arith.constant 0 : i32
        %dma_wait3A_985 = arith.constant 0 : i32
        %dma_wait3A_986 = tpu.memref_slice %arg4[%dma_wait3A_983, %dma_wait3A_984, %dma_wait3A_985] : memref<16384x26x64xf32, #tpu.memory_space<hbm>> -> memref<16x26x64xf32, #tpu.memory_space<hbm>>
        %dma_wait3A_987 = arith.constant 0 : i32
        %dma_wait3A_988 = arith.constant 0 : i32
        %dma_wait3A_989 = arith.constant 0 : i32
        %dma_wait3A_990 = tpu.memref_slice %arg4[%dma_wait3A_987, %dma_wait3A_988, %dma_wait3A_989] : memref<16384x26x64xf32, #tpu.memory_space<hbm>> -> memref<16x26x64xf32, #tpu.memory_space<hbm>>
        %dma_wait3A_991 = arith.constant 0 : i32
        %dma_wait3A_992 = arith.constant 0 : i32
        %dma_wait3A_993 = arith.constant 0 : i32
        %dma_wait3A_994 = tpu.memref_slice %arg6[%dma_wait3A_977, %dma_wait3A_991, %dma_wait3A_992, %dma_wait3A_993] : memref<2x16x26x64xf32, #tpu.memory_space<vmem>> -> memref<1x16x26x64xf32, #tpu.memory_space<vmem>>
        %dma_wait3A_995 = tpu.memref_squeeze %dma_wait3A_994 : memref<1x16x26x64xf32, #tpu.memory_space<vmem>> -> memref<16x26x64xf32, #tpu.memory_space<vmem>>
        tpu.wait_dma2 semaphore(%arg10 : memref<!tpu.dma_semaphore, #tpu.memory_space<semaphore_mem>>) src(%dma_wait3A_995 : memref<16x26x64xf32, #tpu.memory_space<vmem>>) dst(%dma_wait3A_990 : memref<16x26x64xf32, #tpu.memory_space<hbm>>)
      } else {
      }
      %add3A_466 = arith.constant 1 : i32
      %add3A_467 = arith.addi %mul3A_235, %add3A_466 : i32
      %mul3A_468 = arith.constant 16 : i32
      %mul3A_469 = arith.muli %add3A_467, %mul3A_468 : i32
      %add3A_470 = arith.constant 0 : i32
      %add3A_471 = arith.addi %mul3A_469, %add3A_470 : i32
      %dma_start3A_472 = arith.constant 1 : i32
      %dma_start3A_473 = arith.constant 0 : i32
      %dma_start3A_474 = arith.constant 0 : i32
      %dma_start3A_475 = arith.constant 0 : i32
      %dma_start3A_476 = tpu.memref_slice %arg6[%dma_start3A_472, %dma_start3A_473, %dma_start3A_474, %dma_start3A_475] : memref<2x16x26x64xf32, #tpu.memory_space<vmem>> -> memref<1x1x26x64xf32, #tpu.memory_space<vmem>>
      %dma_start3A_477 = tpu.memref_squeeze %dma_start3A_476 : memref<1x1x26x64xf32, #tpu.memory_space<vmem>> -> memref<26x64xf32, #tpu.memory_space<vmem>>
      %dma_start3A_478 = arith.constant 0 : i32
      %dma_start3A_479 = tpu.memref_slice %arg5[%add3A_471, %dma_start3A_478] : memref<512x26xi32, #tpu.memory_space<vmem>> -> memref<1x26xi32, #tpu.memory_space<vmem>>
      %dma_start3A_480 = tpu.memref_squeeze %dma_start3A_479 : memref<1x26xi32, #tpu.memory_space<vmem>> -> memref<26xi32, #tpu.memory_space<vmem>>
      %dma_start3A_481 = arith.constant 0 : i32
      %dma_start3A_482 = arith.constant 0 : i32
      %dma_start3A_483 = tpu.memref_slice %arg2[%dma_start3A_481, %dma_start3A_482] : memref<1000000x64xf32, #tpu.memory_space<hbm>> -> memref<1000000x64xf32, #tpu.memory_space<hbm>>
      tpu.enqueue_indirect_dma source(%dma_start3A_483 : memref<1000000x64xf32, #tpu.memory_space<hbm>>) target(%dma_start3A_477 : memref<26x64xf32, #tpu.memory_space<vmem>>) offsets(%dma_start3A_480 : memref<26xi32, #tpu.memory_space<vmem>>) semaphore(%arg8 : memref<!tpu.dma_semaphore, #tpu.memory_space<semaphore_mem>>)
      %mul3A_484 = arith.constant 16 : i32
      %mul3A_485 = arith.muli %add3A_467, %mul3A_484 : i32
      %add3A_486 = arith.constant 1 : i32
      %add3A_487 = arith.addi %mul3A_485, %add3A_486 : i32
      %dma_start3A_488 = arith.constant 1 : i32
      %dma_start3A_489 = arith.constant 1 : i32
      %dma_start3A_490 = arith.constant 0 : i32
      %dma_start3A_491 = arith.constant 0 : i32
      %dma_start3A_492 = tpu.memref_slice %arg6[%dma_start3A_488, %dma_start3A_489, %dma_start3A_490, %dma_start3A_491] : memref<2x16x26x64xf32, #tpu.memory_space<vmem>> -> memref<1x1x26x64xf32, #tpu.memory_space<vmem>>
      %dma_start3A_493 = tpu.memref_squeeze %dma_start3A_492 : memref<1x1x26x64xf32, #tpu.memory_space<vmem>> -> memref<26x64xf32, #tpu.memory_space<vmem>>
      %dma_start3A_494 = arith.constant 0 : i32
      %dma_start3A_495 = tpu.memref_slice %arg5[%add3A_487, %dma_start3A_494] : memref<512x26xi32, #tpu.memory_space<vmem>> -> memref<1x26xi32, #tpu.memory_space<vmem>>
      %dma_start3A_496 = tpu.memref_squeeze %dma_start3A_495 : memref<1x26xi32, #tpu.memory_space<vmem>> -> memref<26xi32, #tpu.memory_space<vmem>>
      %dma_start3A_497 = arith.constant 0 : i32
      %dma_start3A_498 = arith.constant 0 : i32
      %dma_start3A_499 = tpu.memref_slice %arg2[%dma_start3A_497, %dma_start3A_498] : memref<1000000x64xf32, #tpu.memory_space<hbm>> -> memref<1000000x64xf32, #tpu.memory_space<hbm>>
      tpu.enqueue_indirect_dma source(%dma_start3A_499 : memref<1000000x64xf32, #tpu.memory_space<hbm>>) target(%dma_start3A_493 : memref<26x64xf32, #tpu.memory_space<vmem>>) offsets(%dma_start3A_496 : memref<26xi32, #tpu.memory_space<vmem>>) semaphore(%arg8 : memref<!tpu.dma_semaphore, #tpu.memory_space<semaphore_mem>>)
      %mul3A_500 = arith.constant 16 : i32
      %mul3A_501 = arith.muli %add3A_467, %mul3A_500 : i32
      %add3A_502 = arith.constant 2 : i32
      %add3A_503 = arith.addi %mul3A_501, %add3A_502 : i32
      %dma_start3A_504 = arith.constant 1 : i32
      %dma_start3A_505 = arith.constant 2 : i32
      %dma_start3A_506 = arith.constant 0 : i32
      %dma_start3A_507 = arith.constant 0 : i32
      %dma_start3A_508 = tpu.memref_slice %arg6[%dma_start3A_504, %dma_start3A_505, %dma_start3A_506, %dma_start3A_507] : memref<2x16x26x64xf32, #tpu.memory_space<vmem>> -> memref<1x1x26x64xf32, #tpu.memory_space<vmem>>
      %dma_start3A_509 = tpu.memref_squeeze %dma_start3A_508 : memref<1x1x26x64xf32, #tpu.memory_space<vmem>> -> memref<26x64xf32, #tpu.memory_space<vmem>>
      %dma_start3A_510 = arith.constant 0 : i32
      %dma_start3A_511 = tpu.memref_slice %arg5[%add3A_503, %dma_start3A_510] : memref<512x26xi32, #tpu.memory_space<vmem>> -> memref<1x26xi32, #tpu.memory_space<vmem>>
      %dma_start3A_512 = tpu.memref_squeeze %dma_start3A_511 : memref<1x26xi32, #tpu.memory_space<vmem>> -> memref<26xi32, #tpu.memory_space<vmem>>
      %dma_start3A_513 = arith.constant 0 : i32
      %dma_start3A_514 = arith.constant 0 : i32
      %dma_start3A_515 = tpu.memref_slice %arg2[%dma_start3A_513, %dma_start3A_514] : memref<1000000x64xf32, #tpu.memory_space<hbm>> -> memref<1000000x64xf32, #tpu.memory_space<hbm>>
      tpu.enqueue_indirect_dma source(%dma_start3A_515 : memref<1000000x64xf32, #tpu.memory_space<hbm>>) target(%dma_start3A_509 : memref<26x64xf32, #tpu.memory_space<vmem>>) offsets(%dma_start3A_512 : memref<26xi32, #tpu.memory_space<vmem>>) semaphore(%arg8 : memref<!tpu.dma_semaphore, #tpu.memory_space<semaphore_mem>>)
      %mul3A_516 = arith.constant 16 : i32
      %mul3A_517 = arith.muli %add3A_467, %mul3A_516 : i32
      %add3A_518 = arith.constant 3 : i32
      %add3A_519 = arith.addi %mul3A_517, %add3A_518 : i32
      %dma_start3A_520 = arith.constant 1 : i32
      %dma_start3A_521 = arith.constant 3 : i32
      %dma_start3A_522 = arith.constant 0 : i32
      %dma_start3A_523 = arith.constant 0 : i32
      %dma_start3A_524 = tpu.memref_slice %arg6[%dma_start3A_520, %dma_start3A_521, %dma_start3A_522, %dma_start3A_523] : memref<2x16x26x64xf32, #tpu.memory_space<vmem>> -> memref<1x1x26x64xf32, #tpu.memory_space<vmem>>
      %dma_start3A_525 = tpu.memref_squeeze %dma_start3A_524 : memref<1x1x26x64xf32, #tpu.memory_space<vmem>> -> memref<26x64xf32, #tpu.memory_space<vmem>>
      %dma_start3A_526 = arith.constant 0 : i32
      %dma_start3A_527 = tpu.memref_slice %arg5[%add3A_519, %dma_start3A_526] : memref<512x26xi32, #tpu.memory_space<vmem>> -> memref<1x26xi32, #tpu.memory_space<vmem>>
      %dma_start3A_528 = tpu.memref_squeeze %dma_start3A_527 : memref<1x26xi32, #tpu.memory_space<vmem>> -> memref<26xi32, #tpu.memory_space<vmem>>
      %dma_start3A_529 = arith.constant 0 : i32
      %dma_start3A_530 = arith.constant 0 : i32
      %dma_start3A_531 = tpu.memref_slice %arg2[%dma_start3A_529, %dma_start3A_530] : memref<1000000x64xf32, #tpu.memory_space<hbm>> -> memref<1000000x64xf32, #tpu.memory_space<hbm>>
      tpu.enqueue_indirect_dma source(%dma_start3A_531 : memref<1000000x64xf32, #tpu.memory_space<hbm>>) target(%dma_start3A_525 : memref<26x64xf32, #tpu.memory_space<vmem>>) offsets(%dma_start3A_528 : memref<26xi32, #tpu.memory_space<vmem>>) semaphore(%arg8 : memref<!tpu.dma_semaphore, #tpu.memory_space<semaphore_mem>>)
      %mul3A_532 = arith.constant 16 : i32
      %mul3A_533 = arith.muli %add3A_467, %mul3A_532 : i32
      %add3A_534 = arith.constant 4 : i32
      %add3A_535 = arith.addi %mul3A_533, %add3A_534 : i32
      %dma_start3A_536 = arith.constant 1 : i32
      %dma_start3A_537 = arith.constant 4 : i32
      %dma_start3A_538 = arith.constant 0 : i32
      %dma_start3A_539 = arith.constant 0 : i32
      %dma_start3A_540 = tpu.memref_slice %arg6[%dma_start3A_536, %dma_start3A_537, %dma_start3A_538, %dma_start3A_539] : memref<2x16x26x64xf32, #tpu.memory_space<vmem>> -> memref<1x1x26x64xf32, #tpu.memory_space<vmem>>
      %dma_start3A_541 = tpu.memref_squeeze %dma_start3A_540 : memref<1x1x26x64xf32, #tpu.memory_space<vmem>> -> memref<26x64xf32, #tpu.memory_space<vmem>>
      %dma_start3A_542 = arith.constant 0 : i32
      %dma_start3A_543 = tpu.memref_slice %arg5[%add3A_535, %dma_start3A_542] : memref<512x26xi32, #tpu.memory_space<vmem>> -> memref<1x26xi32, #tpu.memory_space<vmem>>
      %dma_start3A_544 = tpu.memref_squeeze %dma_start3A_543 : memref<1x26xi32, #tpu.memory_space<vmem>> -> memref<26xi32, #tpu.memory_space<vmem>>
      %dma_start3A_545 = arith.constant 0 : i32
      %dma_start3A_546 = arith.constant 0 : i32
      %dma_start3A_547 = tpu.memref_slice %arg2[%dma_start3A_545, %dma_start3A_546] : memref<1000000x64xf32, #tpu.memory_space<hbm>> -> memref<1000000x64xf32, #tpu.memory_space<hbm>>
      tpu.enqueue_indirect_dma source(%dma_start3A_547 : memref<1000000x64xf32, #tpu.memory_space<hbm>>) target(%dma_start3A_541 : memref<26x64xf32, #tpu.memory_space<vmem>>) offsets(%dma_start3A_544 : memref<26xi32, #tpu.memory_space<vmem>>) semaphore(%arg8 : memref<!tpu.dma_semaphore, #tpu.memory_space<semaphore_mem>>)
      %mul3A_548 = arith.constant 16 : i32
      %mul3A_549 = arith.muli %add3A_467, %mul3A_548 : i32
      %add3A_550 = arith.constant 5 : i32
      %add3A_551 = arith.addi %mul3A_549, %add3A_550 : i32
      %dma_start3A_552 = arith.constant 1 : i32
      %dma_start3A_553 = arith.constant 5 : i32
      %dma_start3A_554 = arith.constant 0 : i32
      %dma_start3A_555 = arith.constant 0 : i32
      %dma_start3A_556 = tpu.memref_slice %arg6[%dma_start3A_552, %dma_start3A_553, %dma_start3A_554, %dma_start3A_555] : memref<2x16x26x64xf32, #tpu.memory_space<vmem>> -> memref<1x1x26x64xf32, #tpu.memory_space<vmem>>
      %dma_start3A_557 = tpu.memref_squeeze %dma_start3A_556 : memref<1x1x26x64xf32, #tpu.memory_space<vmem>> -> memref<26x64xf32, #tpu.memory_space<vmem>>
      %dma_start3A_558 = arith.constant 0 : i32
      %dma_start3A_559 = tpu.memref_slice %arg5[%add3A_551, %dma_start3A_558] : memref<512x26xi32, #tpu.memory_space<vmem>> -> memref<1x26xi32, #tpu.memory_space<vmem>>
      %dma_start3A_560 = tpu.memref_squeeze %dma_start3A_559 : memref<1x26xi32, #tpu.memory_space<vmem>> -> memref<26xi32, #tpu.memory_space<vmem>>
      %dma_start3A_561 = arith.constant 0 : i32
      %dma_start3A_562 = arith.constant 0 : i32
      %dma_start3A_563 = tpu.memref_slice %arg2[%dma_start3A_561, %dma_start3A_562] : memref<1000000x64xf32, #tpu.memory_space<hbm>> -> memref<1000000x64xf32, #tpu.memory_space<hbm>>
      tpu.enqueue_indirect_dma source(%dma_start3A_563 : memref<1000000x64xf32, #tpu.memory_space<hbm>>) target(%dma_start3A_557 : memref<26x64xf32, #tpu.memory_space<vmem>>) offsets(%dma_start3A_560 : memref<26xi32, #tpu.memory_space<vmem>>) semaphore(%arg8 : memref<!tpu.dma_semaphore, #tpu.memory_space<semaphore_mem>>)
      %mul3A_564 = arith.constant 16 : i32
      %mul3A_565 = arith.muli %add3A_467, %mul3A_564 : i32
      %add3A_566 = arith.constant 6 : i32
      %add3A_567 = arith.addi %mul3A_565, %add3A_566 : i32
      %dma_start3A_568 = arith.constant 1 : i32
      %dma_start3A_569 = arith.constant 6 : i32
      %dma_start3A_570 = arith.constant 0 : i32
      %dma_start3A_571 = arith.constant 0 : i32
      %dma_start3A_572 = tpu.memref_slice %arg6[%dma_start3A_568, %dma_start3A_569, %dma_start3A_570, %dma_start3A_571] : memref<2x16x26x64xf32, #tpu.memory_space<vmem>> -> memref<1x1x26x64xf32, #tpu.memory_space<vmem>>
      %dma_start3A_573 = tpu.memref_squeeze %dma_start3A_572 : memref<1x1x26x64xf32, #tpu.memory_space<vmem>> -> memref<26x64xf32, #tpu.memory_space<vmem>>
      %dma_start3A_574 = arith.constant 0 : i32
      %dma_start3A_575 = tpu.memref_slice %arg5[%add3A_567, %dma_start3A_574] : memref<512x26xi32, #tpu.memory_space<vmem>> -> memref<1x26xi32, #tpu.memory_space<vmem>>
      %dma_start3A_576 = tpu.memref_squeeze %dma_start3A_575 : memref<1x26xi32, #tpu.memory_space<vmem>> -> memref<26xi32, #tpu.memory_space<vmem>>
      %dma_start3A_577 = arith.constant 0 : i32
      %dma_start3A_578 = arith.constant 0 : i32
      %dma_start3A_579 = tpu.memref_slice %arg2[%dma_start3A_577, %dma_start3A_578] : memref<1000000x64xf32, #tpu.memory_space<hbm>> -> memref<1000000x64xf32, #tpu.memory_space<hbm>>
      tpu.enqueue_indirect_dma source(%dma_start3A_579 : memref<1000000x64xf32, #tpu.memory_space<hbm>>) target(%dma_start3A_573 : memref<26x64xf32, #tpu.memory_space<vmem>>) offsets(%dma_start3A_576 : memref<26xi32, #tpu.memory_space<vmem>>) semaphore(%arg8 : memref<!tpu.dma_semaphore, #tpu.memory_space<semaphore_mem>>)
      %mul3A_580 = arith.constant 16 : i32
      %mul3A_581 = arith.muli %add3A_467, %mul3A_580 : i32
      %add3A_582 = arith.constant 7 : i32
      %add3A_583 = arith.addi %mul3A_581, %add3A_582 : i32
      %dma_start3A_584 = arith.constant 1 : i32
      %dma_start3A_585 = arith.constant 7 : i32
      %dma_start3A_586 = arith.constant 0 : i32
      %dma_start3A_587 = arith.constant 0 : i32
      %dma_start3A_588 = tpu.memref_slice %arg6[%dma_start3A_584, %dma_start3A_585, %dma_start3A_586, %dma_start3A_587] : memref<2x16x26x64xf32, #tpu.memory_space<vmem>> -> memref<1x1x26x64xf32, #tpu.memory_space<vmem>>
      %dma_start3A_589 = tpu.memref_squeeze %dma_start3A_588 : memref<1x1x26x64xf32, #tpu.memory_space<vmem>> -> memref<26x64xf32, #tpu.memory_space<vmem>>
      %dma_start3A_590 = arith.constant 0 : i32
      %dma_start3A_591 = tpu.memref_slice %arg5[%add3A_583, %dma_start3A_590] : memref<512x26xi32, #tpu.memory_space<vmem>> -> memref<1x26xi32, #tpu.memory_space<vmem>>
      %dma_start3A_592 = tpu.memref_squeeze %dma_start3A_591 : memref<1x26xi32, #tpu.memory_space<vmem>> -> memref<26xi32, #tpu.memory_space<vmem>>
      %dma_start3A_593 = arith.constant 0 : i32
      %dma_start3A_594 = arith.constant 0 : i32
      %dma_start3A_595 = tpu.memref_slice %arg2[%dma_start3A_593, %dma_start3A_594] : memref<1000000x64xf32, #tpu.memory_space<hbm>> -> memref<1000000x64xf32, #tpu.memory_space<hbm>>
      tpu.enqueue_indirect_dma source(%dma_start3A_595 : memref<1000000x64xf32, #tpu.memory_space<hbm>>) target(%dma_start3A_589 : memref<26x64xf32, #tpu.memory_space<vmem>>) offsets(%dma_start3A_592 : memref<26xi32, #tpu.memory_space<vmem>>) semaphore(%arg8 : memref<!tpu.dma_semaphore, #tpu.memory_space<semaphore_mem>>)
      %mul3A_596 = arith.constant 16 : i32
      %mul3A_597 = arith.muli %add3A_467, %mul3A_596 : i32
      %add3A_598 = arith.constant 8 : i32
      %add3A_599 = arith.addi %mul3A_597, %add3A_598 : i32
      %dma_start3A_600 = arith.constant 1 : i32
      %dma_start3A_601 = arith.constant 8 : i32
      %dma_start3A_602 = arith.constant 0 : i32
      %dma_start3A_603 = arith.constant 0 : i32
      %dma_start3A_604 = tpu.memref_slice %arg6[%dma_start3A_600, %dma_start3A_601, %dma_start3A_602, %dma_start3A_603] : memref<2x16x26x64xf32, #tpu.memory_space<vmem>> -> memref<1x1x26x64xf32, #tpu.memory_space<vmem>>
      %dma_start3A_605 = tpu.memref_squeeze %dma_start3A_604 : memref<1x1x26x64xf32, #tpu.memory_space<vmem>> -> memref<26x64xf32, #tpu.memory_space<vmem>>
      %dma_start3A_606 = arith.constant 0 : i32
      %dma_start3A_607 = tpu.memref_slice %arg5[%add3A_599, %dma_start3A_606] : memref<512x26xi32, #tpu.memory_space<vmem>> -> memref<1x26xi32, #tpu.memory_space<vmem>>
      %dma_start3A_608 = tpu.memref_squeeze %dma_start3A_607 : memref<1x26xi32, #tpu.memory_space<vmem>> -> memref<26xi32, #tpu.memory_space<vmem>>
      %dma_start3A_609 = arith.constant 0 : i32
      %dma_start3A_610 = arith.constant 0 : i32
      %dma_start3A_611 = tpu.memref_slice %arg2[%dma_start3A_609, %dma_start3A_610] : memref<1000000x64xf32, #tpu.memory_space<hbm>> -> memref<1000000x64xf32, #tpu.memory_space<hbm>>
      tpu.enqueue_indirect_dma source(%dma_start3A_611 : memref<1000000x64xf32, #tpu.memory_space<hbm>>) target(%dma_start3A_605 : memref<26x64xf32, #tpu.memory_space<vmem>>) offsets(%dma_start3A_608 : memref<26xi32, #tpu.memory_space<vmem>>) semaphore(%arg8 : memref<!tpu.dma_semaphore, #tpu.memory_space<semaphore_mem>>)
      %mul3A_612 = arith.constant 16 : i32
      %mul3A_613 = arith.muli %add3A_467, %mul3A_612 : i32
      %add3A_614 = arith.constant 9 : i32
      %add3A_615 = arith.addi %mul3A_613, %add3A_614 : i32
      %dma_start3A_616 = arith.constant 1 : i32
      %dma_start3A_617 = arith.constant 9 : i32
      %dma_start3A_618 = arith.constant 0 : i32
      %dma_start3A_619 = arith.constant 0 : i32
      %dma_start3A_620 = tpu.memref_slice %arg6[%dma_start3A_616, %dma_start3A_617, %dma_start3A_618, %dma_start3A_619] : memref<2x16x26x64xf32, #tpu.memory_space<vmem>> -> memref<1x1x26x64xf32, #tpu.memory_space<vmem>>
      %dma_start3A_621 = tpu.memref_squeeze %dma_start3A_620 : memref<1x1x26x64xf32, #tpu.memory_space<vmem>> -> memref<26x64xf32, #tpu.memory_space<vmem>>
      %dma_start3A_622 = arith.constant 0 : i32
      %dma_start3A_623 = tpu.memref_slice %arg5[%add3A_615, %dma_start3A_622] : memref<512x26xi32, #tpu.memory_space<vmem>> -> memref<1x26xi32, #tpu.memory_space<vmem>>
      %dma_start3A_624 = tpu.memref_squeeze %dma_start3A_623 : memref<1x26xi32, #tpu.memory_space<vmem>> -> memref<26xi32, #tpu.memory_space<vmem>>
      %dma_start3A_625 = arith.constant 0 : i32
      %dma_start3A_626 = arith.constant 0 : i32
      %dma_start3A_627 = tpu.memref_slice %arg2[%dma_start3A_625, %dma_start3A_626] : memref<1000000x64xf32, #tpu.memory_space<hbm>> -> memref<1000000x64xf32, #tpu.memory_space<hbm>>
      tpu.enqueue_indirect_dma source(%dma_start3A_627 : memref<1000000x64xf32, #tpu.memory_space<hbm>>) target(%dma_start3A_621 : memref<26x64xf32, #tpu.memory_space<vmem>>) offsets(%dma_start3A_624 : memref<26xi32, #tpu.memory_space<vmem>>) semaphore(%arg8 : memref<!tpu.dma_semaphore, #tpu.memory_space<semaphore_mem>>)
      %mul3A_628 = arith.constant 16 : i32
      %mul3A_629 = arith.muli %add3A_467, %mul3A_628 : i32
      %add3A_630 = arith.constant 10 : i32
      %add3A_631 = arith.addi %mul3A_629, %add3A_630 : i32
      %dma_start3A_632 = arith.constant 1 : i32
      %dma_start3A_633 = arith.constant 10 : i32
      %dma_start3A_634 = arith.constant 0 : i32
      %dma_start3A_635 = arith.constant 0 : i32
      %dma_start3A_636 = tpu.memref_slice %arg6[%dma_start3A_632, %dma_start3A_633, %dma_start3A_634, %dma_start3A_635] : memref<2x16x26x64xf32, #tpu.memory_space<vmem>> -> memref<1x1x26x64xf32, #tpu.memory_space<vmem>>
      %dma_start3A_637 = tpu.memref_squeeze %dma_start3A_636 : memref<1x1x26x64xf32, #tpu.memory_space<vmem>> -> memref<26x64xf32, #tpu.memory_space<vmem>>
      %dma_start3A_638 = arith.constant 0 : i32
      %dma_start3A_639 = tpu.memref_slice %arg5[%add3A_631, %dma_start3A_638] : memref<512x26xi32, #tpu.memory_space<vmem>> -> memref<1x26xi32, #tpu.memory_space<vmem>>
      %dma_start3A_640 = tpu.memref_squeeze %dma_start3A_639 : memref<1x26xi32, #tpu.memory_space<vmem>> -> memref<26xi32, #tpu.memory_space<vmem>>
      %dma_start3A_641 = arith.constant 0 : i32
      %dma_start3A_642 = arith.constant 0 : i32
      %dma_start3A_643 = tpu.memref_slice %arg2[%dma_start3A_641, %dma_start3A_642] : memref<1000000x64xf32, #tpu.memory_space<hbm>> -> memref<1000000x64xf32, #tpu.memory_space<hbm>>
      tpu.enqueue_indirect_dma source(%dma_start3A_643 : memref<1000000x64xf32, #tpu.memory_space<hbm>>) target(%dma_start3A_637 : memref<26x64xf32, #tpu.memory_space<vmem>>) offsets(%dma_start3A_640 : memref<26xi32, #tpu.memory_space<vmem>>) semaphore(%arg8 : memref<!tpu.dma_semaphore, #tpu.memory_space<semaphore_mem>>)
      %mul3A_644 = arith.constant 16 : i32
      %mul3A_645 = arith.muli %add3A_467, %mul3A_644 : i32
      %add3A_646 = arith.constant 11 : i32
      %add3A_647 = arith.addi %mul3A_645, %add3A_646 : i32
      %dma_start3A_648 = arith.constant 1 : i32
      %dma_start3A_649 = arith.constant 11 : i32
      %dma_start3A_650 = arith.constant 0 : i32
      %dma_start3A_651 = arith.constant 0 : i32
      %dma_start3A_652 = tpu.memref_slice %arg6[%dma_start3A_648, %dma_start3A_649, %dma_start3A_650, %dma_start3A_651] : memref<2x16x26x64xf32, #tpu.memory_space<vmem>> -> memref<1x1x26x64xf32, #tpu.memory_space<vmem>>
      %dma_start3A_653 = tpu.memref_squeeze %dma_start3A_652 : memref<1x1x26x64xf32, #tpu.memory_space<vmem>> -> memref<26x64xf32, #tpu.memory_space<vmem>>
      %dma_start3A_654 = arith.constant 0 : i32
      %dma_start3A_655 = tpu.memref_slice %arg5[%add3A_647, %dma_start3A_654] : memref<512x26xi32, #tpu.memory_space<vmem>> -> memref<1x26xi32, #tpu.memory_space<vmem>>
      %dma_start3A_656 = tpu.memref_squeeze %dma_start3A_655 : memref<1x26xi32, #tpu.memory_space<vmem>> -> memref<26xi32, #tpu.memory_space<vmem>>
      %dma_start3A_657 = arith.constant 0 : i32
      %dma_start3A_658 = arith.constant 0 : i32
      %dma_start3A_659 = tpu.memref_slice %arg2[%dma_start3A_657, %dma_start3A_658] : memref<1000000x64xf32, #tpu.memory_space<hbm>> -> memref<1000000x64xf32, #tpu.memory_space<hbm>>
      tpu.enqueue_indirect_dma source(%dma_start3A_659 : memref<1000000x64xf32, #tpu.memory_space<hbm>>) target(%dma_start3A_653 : memref<26x64xf32, #tpu.memory_space<vmem>>) offsets(%dma_start3A_656 : memref<26xi32, #tpu.memory_space<vmem>>) semaphore(%arg8 : memref<!tpu.dma_semaphore, #tpu.memory_space<semaphore_mem>>)
      %mul3A_660 = arith.constant 16 : i32
      %mul3A_661 = arith.muli %add3A_467, %mul3A_660 : i32
      %add3A_662 = arith.constant 12 : i32
      %add3A_663 = arith.addi %mul3A_661, %add3A_662 : i32
      %dma_start3A_664 = arith.constant 1 : i32
      %dma_start3A_665 = arith.constant 12 : i32
      %dma_start3A_666 = arith.constant 0 : i32
      %dma_start3A_667 = arith.constant 0 : i32
      %dma_start3A_668 = tpu.memref_slice %arg6[%dma_start3A_664, %dma_start3A_665, %dma_start3A_666, %dma_start3A_667] : memref<2x16x26x64xf32, #tpu.memory_space<vmem>> -> memref<1x1x26x64xf32, #tpu.memory_space<vmem>>
      %dma_start3A_669 = tpu.memref_squeeze %dma_start3A_668 : memref<1x1x26x64xf32, #tpu.memory_space<vmem>> -> memref<26x64xf32, #tpu.memory_space<vmem>>
      %dma_start3A_670 = arith.constant 0 : i32
      %dma_start3A_671 = tpu.memref_slice %arg5[%add3A_663, %dma_start3A_670] : memref<512x26xi32, #tpu.memory_space<vmem>> -> memref<1x26xi32, #tpu.memory_space<vmem>>
      %dma_start3A_672 = tpu.memref_squeeze %dma_start3A_671 : memref<1x26xi32, #tpu.memory_space<vmem>> -> memref<26xi32, #tpu.memory_space<vmem>>
      %dma_start3A_673 = arith.constant 0 : i32
      %dma_start3A_674 = arith.constant 0 : i32
      %dma_start3A_675 = tpu.memref_slice %arg2[%dma_start3A_673, %dma_start3A_674] : memref<1000000x64xf32, #tpu.memory_space<hbm>> -> memref<1000000x64xf32, #tpu.memory_space<hbm>>
      tpu.enqueue_indirect_dma source(%dma_start3A_675 : memref<1000000x64xf32, #tpu.memory_space<hbm>>) target(%dma_start3A_669 : memref<26x64xf32, #tpu.memory_space<vmem>>) offsets(%dma_start3A_672 : memref<26xi32, #tpu.memory_space<vmem>>) semaphore(%arg8 : memref<!tpu.dma_semaphore, #tpu.memory_space<semaphore_mem>>)
      %mul3A_676 = arith.constant 16 : i32
      %mul3A_677 = arith.muli %add3A_467, %mul3A_676 : i32
      %add3A_678 = arith.constant 13 : i32
      %add3A_679 = arith.addi %mul3A_677, %add3A_678 : i32
      %dma_start3A_680 = arith.constant 1 : i32
      %dma_start3A_681 = arith.constant 13 : i32
      %dma_start3A_682 = arith.constant 0 : i32
      %dma_start3A_683 = arith.constant 0 : i32
      %dma_start3A_684 = tpu.memref_slice %arg6[%dma_start3A_680, %dma_start3A_681, %dma_start3A_682, %dma_start3A_683] : memref<2x16x26x64xf32, #tpu.memory_space<vmem>> -> memref<1x1x26x64xf32, #tpu.memory_space<vmem>>
      %dma_start3A_685 = tpu.memref_squeeze %dma_start3A_684 : memref<1x1x26x64xf32, #tpu.memory_space<vmem>> -> memref<26x64xf32, #tpu.memory_space<vmem>>
      %dma_start3A_686 = arith.constant 0 : i32
      %dma_start3A_687 = tpu.memref_slice %arg5[%add3A_679, %dma_start3A_686] : memref<512x26xi32, #tpu.memory_space<vmem>> -> memref<1x26xi32, #tpu.memory_space<vmem>>
      %dma_start3A_688 = tpu.memref_squeeze %dma_start3A_687 : memref<1x26xi32, #tpu.memory_space<vmem>> -> memref<26xi32, #tpu.memory_space<vmem>>
      %dma_start3A_689 = arith.constant 0 : i32
      %dma_start3A_690 = arith.constant 0 : i32
      %dma_start3A_691 = tpu.memref_slice %arg2[%dma_start3A_689, %dma_start3A_690] : memref<1000000x64xf32, #tpu.memory_space<hbm>> -> memref<1000000x64xf32, #tpu.memory_space<hbm>>
      tpu.enqueue_indirect_dma source(%dma_start3A_691 : memref<1000000x64xf32, #tpu.memory_space<hbm>>) target(%dma_start3A_685 : memref<26x64xf32, #tpu.memory_space<vmem>>) offsets(%dma_start3A_688 : memref<26xi32, #tpu.memory_space<vmem>>) semaphore(%arg8 : memref<!tpu.dma_semaphore, #tpu.memory_space<semaphore_mem>>)
      %mul3A_692 = arith.constant 16 : i32
      %mul3A_693 = arith.muli %add3A_467, %mul3A_692 : i32
      %add3A_694 = arith.constant 14 : i32
      %add3A_695 = arith.addi %mul3A_693, %add3A_694 : i32
      %dma_start3A_696 = arith.constant 1 : i32
      %dma_start3A_697 = arith.constant 14 : i32
      %dma_start3A_698 = arith.constant 0 : i32
      %dma_start3A_699 = arith.constant 0 : i32
      %dma_start3A_700 = tpu.memref_slice %arg6[%dma_start3A_696, %dma_start3A_697, %dma_start3A_698, %dma_start3A_699] : memref<2x16x26x64xf32, #tpu.memory_space<vmem>> -> memref<1x1x26x64xf32, #tpu.memory_space<vmem>>
      %dma_start3A_701 = tpu.memref_squeeze %dma_start3A_700 : memref<1x1x26x64xf32, #tpu.memory_space<vmem>> -> memref<26x64xf32, #tpu.memory_space<vmem>>
      %dma_start3A_702 = arith.constant 0 : i32
      %dma_start3A_703 = tpu.memref_slice %arg5[%add3A_695, %dma_start3A_702] : memref<512x26xi32, #tpu.memory_space<vmem>> -> memref<1x26xi32, #tpu.memory_space<vmem>>
      %dma_start3A_704 = tpu.memref_squeeze %dma_start3A_703 : memref<1x26xi32, #tpu.memory_space<vmem>> -> memref<26xi32, #tpu.memory_space<vmem>>
      %dma_start3A_705 = arith.constant 0 : i32
      %dma_start3A_706 = arith.constant 0 : i32
      %dma_start3A_707 = tpu.memref_slice %arg2[%dma_start3A_705, %dma_start3A_706] : memref<1000000x64xf32, #tpu.memory_space<hbm>> -> memref<1000000x64xf32, #tpu.memory_space<hbm>>
      tpu.enqueue_indirect_dma source(%dma_start3A_707 : memref<1000000x64xf32, #tpu.memory_space<hbm>>) target(%dma_start3A_701 : memref<26x64xf32, #tpu.memory_space<vmem>>) offsets(%dma_start3A_704 : memref<26xi32, #tpu.memory_space<vmem>>) semaphore(%arg8 : memref<!tpu.dma_semaphore, #tpu.memory_space<semaphore_mem>>)
      %mul3A_708 = arith.constant 16 : i32
      %mul3A_709 = arith.muli %add3A_467, %mul3A_708 : i32
      %add3A_710 = arith.constant 15 : i32
      %add3A_711 = arith.addi %mul3A_709, %add3A_710 : i32
      %dma_start3A_712 = arith.constant 1 : i32
      %dma_start3A_713 = arith.constant 15 : i32
      %dma_start3A_714 = arith.constant 0 : i32
      %dma_start3A_715 = arith.constant 0 : i32
      %dma_start3A_716 = tpu.memref_slice %arg6[%dma_start3A_712, %dma_start3A_713, %dma_start3A_714, %dma_start3A_715] : memref<2x16x26x64xf32, #tpu.memory_space<vmem>> -> memref<1x1x26x64xf32, #tpu.memory_space<vmem>>
      %dma_start3A_717 = tpu.memref_squeeze %dma_start3A_716 : memref<1x1x26x64xf32, #tpu.memory_space<vmem>> -> memref<26x64xf32, #tpu.memory_space<vmem>>
      %dma_start3A_718 = arith.constant 0 : i32
      %dma_start3A_719 = tpu.memref_slice %arg5[%add3A_711, %dma_start3A_718] : memref<512x26xi32, #tpu.memory_space<vmem>> -> memref<1x26xi32, #tpu.memory_space<vmem>>
      %dma_start3A_720 = tpu.memref_squeeze %dma_start3A_719 : memref<1x26xi32, #tpu.memory_space<vmem>> -> memref<26xi32, #tpu.memory_space<vmem>>
      %dma_start3A_721 = arith.constant 0 : i32
      %dma_start3A_722 = arith.constant 0 : i32
      %dma_start3A_723 = tpu.memref_slice %arg2[%dma_start3A_721, %dma_start3A_722] : memref<1000000x64xf32, #tpu.memory_space<hbm>> -> memref<1000000x64xf32, #tpu.memory_space<hbm>>
      tpu.enqueue_indirect_dma source(%dma_start3A_723 : memref<1000000x64xf32, #tpu.memory_space<hbm>>) target(%dma_start3A_717 : memref<26x64xf32, #tpu.memory_space<vmem>>) offsets(%dma_start3A_720 : memref<26xi32, #tpu.memory_space<vmem>>) semaphore(%arg8 : memref<!tpu.dma_semaphore, #tpu.memory_space<semaphore_mem>>)
      %dma_wait3A_724 = arith.constant 0 : i32
      %dma_wait3A_725 = arith.constant 1 : i32
      %dma_wait3A_726 = arith.constant 0 : i32
      %dma_wait3A_727 = arith.constant 0 : i32
      %dma_wait3A_728 = arith.constant 0 : i32
      %dma_wait3A_729 = tpu.memref_slice %arg6[%dma_wait3A_725, %dma_wait3A_726, %dma_wait3A_727, %dma_wait3A_728] : memref<2x16x26x64xf32, #tpu.memory_space<vmem>> -> memref<1x1x26x64xf32, #tpu.memory_space<vmem>>
      %dma_wait3A_730 = tpu.memref_squeeze %dma_wait3A_729 : memref<1x1x26x64xf32, #tpu.memory_space<vmem>> -> memref<26x64xf32, #tpu.memory_space<vmem>>
      %dma_wait3A_731 = arith.constant 0 : i32
      %dma_wait3A_732 = tpu.memref_slice %arg5[%dma_wait3A_724, %dma_wait3A_731] : memref<512x26xi32, #tpu.memory_space<vmem>> -> memref<1x26xi32, #tpu.memory_space<vmem>>
      %dma_wait3A_733 = tpu.memref_squeeze %dma_wait3A_732 : memref<1x26xi32, #tpu.memory_space<vmem>> -> memref<26xi32, #tpu.memory_space<vmem>>
      %dma_wait3A_734 = arith.constant 0 : i32
      %dma_wait3A_735 = arith.constant 0 : i32
      %dma_wait3A_736 = tpu.memref_slice %arg2[%dma_wait3A_734, %dma_wait3A_735] : memref<1000000x64xf32, #tpu.memory_space<hbm>> -> memref<1000000x64xf32, #tpu.memory_space<hbm>>
      tpu.wait_indirect_dma semaphore(%arg8 : memref<!tpu.dma_semaphore, #tpu.memory_space<semaphore_mem>>) src(%dma_wait3A_736 : memref<1000000x64xf32, #tpu.memory_space<hbm>>) dst(%dma_wait3A_730 : memref<26x64xf32, #tpu.memory_space<vmem>>)
      %dma_wait3A_737 = arith.constant 0 : i32
      %dma_wait3A_738 = arith.constant 1 : i32
      %dma_wait3A_739 = arith.constant 1 : i32
      %dma_wait3A_740 = arith.constant 0 : i32
      %dma_wait3A_741 = arith.constant 0 : i32
      %dma_wait3A_742 = tpu.memref_slice %arg6[%dma_wait3A_738, %dma_wait3A_739, %dma_wait3A_740, %dma_wait3A_741] : memref<2x16x26x64xf32, #tpu.memory_space<vmem>> -> memref<1x1x26x64xf32, #tpu.memory_space<vmem>>
      %dma_wait3A_743 = tpu.memref_squeeze %dma_wait3A_742 : memref<1x1x26x64xf32, #tpu.memory_space<vmem>> -> memref<26x64xf32, #tpu.memory_space<vmem>>
      %dma_wait3A_744 = arith.constant 0 : i32
      %dma_wait3A_745 = tpu.memref_slice %arg5[%dma_wait3A_737, %dma_wait3A_744] : memref<512x26xi32, #tpu.memory_space<vmem>> -> memref<1x26xi32, #tpu.memory_space<vmem>>
      %dma_wait3A_746 = tpu.memref_squeeze %dma_wait3A_745 : memref<1x26xi32, #tpu.memory_space<vmem>> -> memref<26xi32, #tpu.memory_space<vmem>>
      %dma_wait3A_747 = arith.constant 0 : i32
      %dma_wait3A_748 = arith.constant 0 : i32
      %dma_wait3A_749 = tpu.memref_slice %arg2[%dma_wait3A_747, %dma_wait3A_748] : memref<1000000x64xf32, #tpu.memory_space<hbm>> -> memref<1000000x64xf32, #tpu.memory_space<hbm>>
      tpu.wait_indirect_dma semaphore(%arg8 : memref<!tpu.dma_semaphore, #tpu.memory_space<semaphore_mem>>) src(%dma_wait3A_749 : memref<1000000x64xf32, #tpu.memory_space<hbm>>) dst(%dma_wait3A_743 : memref<26x64xf32, #tpu.memory_space<vmem>>)
      %dma_wait3A_750 = arith.constant 0 : i32
      %dma_wait3A_751 = arith.constant 1 : i32
      %dma_wait3A_752 = arith.constant 2 : i32
      %dma_wait3A_753 = arith.constant 0 : i32
      %dma_wait3A_754 = arith.constant 0 : i32
      %dma_wait3A_755 = tpu.memref_slice %arg6[%dma_wait3A_751, %dma_wait3A_752, %dma_wait3A_753, %dma_wait3A_754] : memref<2x16x26x64xf32, #tpu.memory_space<vmem>> -> memref<1x1x26x64xf32, #tpu.memory_space<vmem>>
      %dma_wait3A_756 = tpu.memref_squeeze %dma_wait3A_755 : memref<1x1x26x64xf32, #tpu.memory_space<vmem>> -> memref<26x64xf32, #tpu.memory_space<vmem>>
      %dma_wait3A_757 = arith.constant 0 : i32
      %dma_wait3A_758 = tpu.memref_slice %arg5[%dma_wait3A_750, %dma_wait3A_757] : memref<512x26xi32, #tpu.memory_space<vmem>> -> memref<1x26xi32, #tpu.memory_space<vmem>>
      %dma_wait3A_759 = tpu.memref_squeeze %dma_wait3A_758 : memref<1x26xi32, #tpu.memory_space<vmem>> -> memref<26xi32, #tpu.memory_space<vmem>>
      %dma_wait3A_760 = arith.constant 0 : i32
      %dma_wait3A_761 = arith.constant 0 : i32
      %dma_wait3A_762 = tpu.memref_slice %arg2[%dma_wait3A_760, %dma_wait3A_761] : memref<1000000x64xf32, #tpu.memory_space<hbm>> -> memref<1000000x64xf32, #tpu.memory_space<hbm>>
      tpu.wait_indirect_dma semaphore(%arg8 : memref<!tpu.dma_semaphore, #tpu.memory_space<semaphore_mem>>) src(%dma_wait3A_762 : memref<1000000x64xf32, #tpu.memory_space<hbm>>) dst(%dma_wait3A_756 : memref<26x64xf32, #tpu.memory_space<vmem>>)
      %dma_wait3A_763 = arith.constant 0 : i32
      %dma_wait3A_764 = arith.constant 1 : i32
      %dma_wait3A_765 = arith.constant 3 : i32
      %dma_wait3A_766 = arith.constant 0 : i32
      %dma_wait3A_767 = arith.constant 0 : i32
      %dma_wait3A_768 = tpu.memref_slice %arg6[%dma_wait3A_764, %dma_wait3A_765, %dma_wait3A_766, %dma_wait3A_767] : memref<2x16x26x64xf32, #tpu.memory_space<vmem>> -> memref<1x1x26x64xf32, #tpu.memory_space<vmem>>
      %dma_wait3A_769 = tpu.memref_squeeze %dma_wait3A_768 : memref<1x1x26x64xf32, #tpu.memory_space<vmem>> -> memref<26x64xf32, #tpu.memory_space<vmem>>
      %dma_wait3A_770 = arith.constant 0 : i32
      %dma_wait3A_771 = tpu.memref_slice %arg5[%dma_wait3A_763, %dma_wait3A_770] : memref<512x26xi32, #tpu.memory_space<vmem>> -> memref<1x26xi32, #tpu.memory_space<vmem>>
      %dma_wait3A_772 = tpu.memref_squeeze %dma_wait3A_771 : memref<1x26xi32, #tpu.memory_space<vmem>> -> memref<26xi32, #tpu.memory_space<vmem>>
      %dma_wait3A_773 = arith.constant 0 : i32
      %dma_wait3A_774 = arith.constant 0 : i32
      %dma_wait3A_775 = tpu.memref_slice %arg2[%dma_wait3A_773, %dma_wait3A_774] : memref<1000000x64xf32, #tpu.memory_space<hbm>> -> memref<1000000x64xf32, #tpu.memory_space<hbm>>
      tpu.wait_indirect_dma semaphore(%arg8 : memref<!tpu.dma_semaphore, #tpu.memory_space<semaphore_mem>>) src(%dma_wait3A_775 : memref<1000000x64xf32, #tpu.memory_space<hbm>>) dst(%dma_wait3A_769 : memref<26x64xf32, #tpu.memory_space<vmem>>)
      %dma_wait3A_776 = arith.constant 0 : i32
      %dma_wait3A_777 = arith.constant 1 : i32
      %dma_wait3A_778 = arith.constant 4 : i32
      %dma_wait3A_779 = arith.constant 0 : i32
      %dma_wait3A_780 = arith.constant 0 : i32
      %dma_wait3A_781 = tpu.memref_slice %arg6[%dma_wait3A_777, %dma_wait3A_778, %dma_wait3A_779, %dma_wait3A_780] : memref<2x16x26x64xf32, #tpu.memory_space<vmem>> -> memref<1x1x26x64xf32, #tpu.memory_space<vmem>>
      %dma_wait3A_782 = tpu.memref_squeeze %dma_wait3A_781 : memref<1x1x26x64xf32, #tpu.memory_space<vmem>> -> memref<26x64xf32, #tpu.memory_space<vmem>>
      %dma_wait3A_783 = arith.constant 0 : i32
      %dma_wait3A_784 = tpu.memref_slice %arg5[%dma_wait3A_776, %dma_wait3A_783] : memref<512x26xi32, #tpu.memory_space<vmem>> -> memref<1x26xi32, #tpu.memory_space<vmem>>
      %dma_wait3A_785 = tpu.memref_squeeze %dma_wait3A_784 : memref<1x26xi32, #tpu.memory_space<vmem>> -> memref<26xi32, #tpu.memory_space<vmem>>
      %dma_wait3A_786 = arith.constant 0 : i32
      %dma_wait3A_787 = arith.constant 0 : i32
      %dma_wait3A_788 = tpu.memref_slice %arg2[%dma_wait3A_786, %dma_wait3A_787] : memref<1000000x64xf32, #tpu.memory_space<hbm>> -> memref<1000000x64xf32, #tpu.memory_space<hbm>>
      tpu.wait_indirect_dma semaphore(%arg8 : memref<!tpu.dma_semaphore, #tpu.memory_space<semaphore_mem>>) src(%dma_wait3A_788 : memref<1000000x64xf32, #tpu.memory_space<hbm>>) dst(%dma_wait3A_782 : memref<26x64xf32, #tpu.memory_space<vmem>>)
      %dma_wait3A_789 = arith.constant 0 : i32
      %dma_wait3A_790 = arith.constant 1 : i32
      %dma_wait3A_791 = arith.constant 5 : i32
      %dma_wait3A_792 = arith.constant 0 : i32
      %dma_wait3A_793 = arith.constant 0 : i32
      %dma_wait3A_794 = tpu.memref_slice %arg6[%dma_wait3A_790, %dma_wait3A_791, %dma_wait3A_792, %dma_wait3A_793] : memref<2x16x26x64xf32, #tpu.memory_space<vmem>> -> memref<1x1x26x64xf32, #tpu.memory_space<vmem>>
      %dma_wait3A_795 = tpu.memref_squeeze %dma_wait3A_794 : memref<1x1x26x64xf32, #tpu.memory_space<vmem>> -> memref<26x64xf32, #tpu.memory_space<vmem>>
      %dma_wait3A_796 = arith.constant 0 : i32
      %dma_wait3A_797 = tpu.memref_slice %arg5[%dma_wait3A_789, %dma_wait3A_796] : memref<512x26xi32, #tpu.memory_space<vmem>> -> memref<1x26xi32, #tpu.memory_space<vmem>>
      %dma_wait3A_798 = tpu.memref_squeeze %dma_wait3A_797 : memref<1x26xi32, #tpu.memory_space<vmem>> -> memref<26xi32, #tpu.memory_space<vmem>>
      %dma_wait3A_799 = arith.constant 0 : i32
      %dma_wait3A_800 = arith.constant 0 : i32
      %dma_wait3A_801 = tpu.memref_slice %arg2[%dma_wait3A_799, %dma_wait3A_800] : memref<1000000x64xf32, #tpu.memory_space<hbm>> -> memref<1000000x64xf32, #tpu.memory_space<hbm>>
      tpu.wait_indirect_dma semaphore(%arg8 : memref<!tpu.dma_semaphore, #tpu.memory_space<semaphore_mem>>) src(%dma_wait3A_801 : memref<1000000x64xf32, #tpu.memory_space<hbm>>) dst(%dma_wait3A_795 : memref<26x64xf32, #tpu.memory_space<vmem>>)
      %dma_wait3A_802 = arith.constant 0 : i32
      %dma_wait3A_803 = arith.constant 1 : i32
      %dma_wait3A_804 = arith.constant 6 : i32
      %dma_wait3A_805 = arith.constant 0 : i32
      %dma_wait3A_806 = arith.constant 0 : i32
      %dma_wait3A_807 = tpu.memref_slice %arg6[%dma_wait3A_803, %dma_wait3A_804, %dma_wait3A_805, %dma_wait3A_806] : memref<2x16x26x64xf32, #tpu.memory_space<vmem>> -> memref<1x1x26x64xf32, #tpu.memory_space<vmem>>
      %dma_wait3A_808 = tpu.memref_squeeze %dma_wait3A_807 : memref<1x1x26x64xf32, #tpu.memory_space<vmem>> -> memref<26x64xf32, #tpu.memory_space<vmem>>
      %dma_wait3A_809 = arith.constant 0 : i32
      %dma_wait3A_810 = tpu.memref_slice %arg5[%dma_wait3A_802, %dma_wait3A_809] : memref<512x26xi32, #tpu.memory_space<vmem>> -> memref<1x26xi32, #tpu.memory_space<vmem>>
      %dma_wait3A_811 = tpu.memref_squeeze %dma_wait3A_810 : memref<1x26xi32, #tpu.memory_space<vmem>> -> memref<26xi32, #tpu.memory_space<vmem>>
      %dma_wait3A_812 = arith.constant 0 : i32
      %dma_wait3A_813 = arith.constant 0 : i32
      %dma_wait3A_814 = tpu.memref_slice %arg2[%dma_wait3A_812, %dma_wait3A_813] : memref<1000000x64xf32, #tpu.memory_space<hbm>> -> memref<1000000x64xf32, #tpu.memory_space<hbm>>
      tpu.wait_indirect_dma semaphore(%arg8 : memref<!tpu.dma_semaphore, #tpu.memory_space<semaphore_mem>>) src(%dma_wait3A_814 : memref<1000000x64xf32, #tpu.memory_space<hbm>>) dst(%dma_wait3A_808 : memref<26x64xf32, #tpu.memory_space<vmem>>)
      %dma_wait3A_815 = arith.constant 0 : i32
      %dma_wait3A_816 = arith.constant 1 : i32
      %dma_wait3A_817 = arith.constant 7 : i32
      %dma_wait3A_818 = arith.constant 0 : i32
      %dma_wait3A_819 = arith.constant 0 : i32
      %dma_wait3A_820 = tpu.memref_slice %arg6[%dma_wait3A_816, %dma_wait3A_817, %dma_wait3A_818, %dma_wait3A_819] : memref<2x16x26x64xf32, #tpu.memory_space<vmem>> -> memref<1x1x26x64xf32, #tpu.memory_space<vmem>>
      %dma_wait3A_821 = tpu.memref_squeeze %dma_wait3A_820 : memref<1x1x26x64xf32, #tpu.memory_space<vmem>> -> memref<26x64xf32, #tpu.memory_space<vmem>>
      %dma_wait3A_822 = arith.constant 0 : i32
      %dma_wait3A_823 = tpu.memref_slice %arg5[%dma_wait3A_815, %dma_wait3A_822] : memref<512x26xi32, #tpu.memory_space<vmem>> -> memref<1x26xi32, #tpu.memory_space<vmem>>
      %dma_wait3A_824 = tpu.memref_squeeze %dma_wait3A_823 : memref<1x26xi32, #tpu.memory_space<vmem>> -> memref<26xi32, #tpu.memory_space<vmem>>
      %dma_wait3A_825 = arith.constant 0 : i32
      %dma_wait3A_826 = arith.constant 0 : i32
      %dma_wait3A_827 = tpu.memref_slice %arg2[%dma_wait3A_825, %dma_wait3A_826] : memref<1000000x64xf32, #tpu.memory_space<hbm>> -> memref<1000000x64xf32, #tpu.memory_space<hbm>>
      tpu.wait_indirect_dma semaphore(%arg8 : memref<!tpu.dma_semaphore, #tpu.memory_space<semaphore_mem>>) src(%dma_wait3A_827 : memref<1000000x64xf32, #tpu.memory_space<hbm>>) dst(%dma_wait3A_821 : memref<26x64xf32, #tpu.memory_space<vmem>>)
      %dma_wait3A_828 = arith.constant 0 : i32
      %dma_wait3A_829 = arith.constant 1 : i32
      %dma_wait3A_830 = arith.constant 8 : i32
      %dma_wait3A_831 = arith.constant 0 : i32
      %dma_wait3A_832 = arith.constant 0 : i32
      %dma_wait3A_833 = tpu.memref_slice %arg6[%dma_wait3A_829, %dma_wait3A_830, %dma_wait3A_831, %dma_wait3A_832] : memref<2x16x26x64xf32, #tpu.memory_space<vmem>> -> memref<1x1x26x64xf32, #tpu.memory_space<vmem>>
      %dma_wait3A_834 = tpu.memref_squeeze %dma_wait3A_833 : memref<1x1x26x64xf32, #tpu.memory_space<vmem>> -> memref<26x64xf32, #tpu.memory_space<vmem>>
      %dma_wait3A_835 = arith.constant 0 : i32
      %dma_wait3A_836 = tpu.memref_slice %arg5[%dma_wait3A_828, %dma_wait3A_835] : memref<512x26xi32, #tpu.memory_space<vmem>> -> memref<1x26xi32, #tpu.memory_space<vmem>>
      %dma_wait3A_837 = tpu.memref_squeeze %dma_wait3A_836 : memref<1x26xi32, #tpu.memory_space<vmem>> -> memref<26xi32, #tpu.memory_space<vmem>>
      %dma_wait3A_838 = arith.constant 0 : i32
      %dma_wait3A_839 = arith.constant 0 : i32
      %dma_wait3A_840 = tpu.memref_slice %arg2[%dma_wait3A_838, %dma_wait3A_839] : memref<1000000x64xf32, #tpu.memory_space<hbm>> -> memref<1000000x64xf32, #tpu.memory_space<hbm>>
      tpu.wait_indirect_dma semaphore(%arg8 : memref<!tpu.dma_semaphore, #tpu.memory_space<semaphore_mem>>) src(%dma_wait3A_840 : memref<1000000x64xf32, #tpu.memory_space<hbm>>) dst(%dma_wait3A_834 : memref<26x64xf32, #tpu.memory_space<vmem>>)
      %dma_wait3A_841 = arith.constant 0 : i32
      %dma_wait3A_842 = arith.constant 1 : i32
      %dma_wait3A_843 = arith.constant 9 : i32
      %dma_wait3A_844 = arith.constant 0 : i32
      %dma_wait3A_845 = arith.constant 0 : i32
      %dma_wait3A_846 = tpu.memref_slice %arg6[%dma_wait3A_842, %dma_wait3A_843, %dma_wait3A_844, %dma_wait3A_845] : memref<2x16x26x64xf32, #tpu.memory_space<vmem>> -> memref<1x1x26x64xf32, #tpu.memory_space<vmem>>
      %dma_wait3A_847 = tpu.memref_squeeze %dma_wait3A_846 : memref<1x1x26x64xf32, #tpu.memory_space<vmem>> -> memref<26x64xf32, #tpu.memory_space<vmem>>
      %dma_wait3A_848 = arith.constant 0 : i32
      %dma_wait3A_849 = tpu.memref_slice %arg5[%dma_wait3A_841, %dma_wait3A_848] : memref<512x26xi32, #tpu.memory_space<vmem>> -> memref<1x26xi32, #tpu.memory_space<vmem>>
      %dma_wait3A_850 = tpu.memref_squeeze %dma_wait3A_849 : memref<1x26xi32, #tpu.memory_space<vmem>> -> memref<26xi32, #tpu.memory_space<vmem>>
      %dma_wait3A_851 = arith.constant 0 : i32
      %dma_wait3A_852 = arith.constant 0 : i32
      %dma_wait3A_853 = tpu.memref_slice %arg2[%dma_wait3A_851, %dma_wait3A_852] : memref<1000000x64xf32, #tpu.memory_space<hbm>> -> memref<1000000x64xf32, #tpu.memory_space<hbm>>
      tpu.wait_indirect_dma semaphore(%arg8 : memref<!tpu.dma_semaphore, #tpu.memory_space<semaphore_mem>>) src(%dma_wait3A_853 : memref<1000000x64xf32, #tpu.memory_space<hbm>>) dst(%dma_wait3A_847 : memref<26x64xf32, #tpu.memory_space<vmem>>)
      %dma_wait3A_854 = arith.constant 0 : i32
      %dma_wait3A_855 = arith.constant 1 : i32
      %dma_wait3A_856 = arith.constant 10 : i32
      %dma_wait3A_857 = arith.constant 0 : i32
      %dma_wait3A_858 = arith.constant 0 : i32
      %dma_wait3A_859 = tpu.memref_slice %arg6[%dma_wait3A_855, %dma_wait3A_856, %dma_wait3A_857, %dma_wait3A_858] : memref<2x16x26x64xf32, #tpu.memory_space<vmem>> -> memref<1x1x26x64xf32, #tpu.memory_space<vmem>>
      %dma_wait3A_860 = tpu.memref_squeeze %dma_wait3A_859 : memref<1x1x26x64xf32, #tpu.memory_space<vmem>> -> memref<26x64xf32, #tpu.memory_space<vmem>>
      %dma_wait3A_861 = arith.constant 0 : i32
      %dma_wait3A_862 = tpu.memref_slice %arg5[%dma_wait3A_854, %dma_wait3A_861] : memref<512x26xi32, #tpu.memory_space<vmem>> -> memref<1x26xi32, #tpu.memory_space<vmem>>
      %dma_wait3A_863 = tpu.memref_squeeze %dma_wait3A_862 : memref<1x26xi32, #tpu.memory_space<vmem>> -> memref<26xi32, #tpu.memory_space<vmem>>
      %dma_wait3A_864 = arith.constant 0 : i32
      %dma_wait3A_865 = arith.constant 0 : i32
      %dma_wait3A_866 = tpu.memref_slice %arg2[%dma_wait3A_864, %dma_wait3A_865] : memref<1000000x64xf32, #tpu.memory_space<hbm>> -> memref<1000000x64xf32, #tpu.memory_space<hbm>>
      tpu.wait_indirect_dma semaphore(%arg8 : memref<!tpu.dma_semaphore, #tpu.memory_space<semaphore_mem>>) src(%dma_wait3A_866 : memref<1000000x64xf32, #tpu.memory_space<hbm>>) dst(%dma_wait3A_860 : memref<26x64xf32, #tpu.memory_space<vmem>>)
      %dma_wait3A_867 = arith.constant 0 : i32
      %dma_wait3A_868 = arith.constant 1 : i32
      %dma_wait3A_869 = arith.constant 11 : i32
      %dma_wait3A_870 = arith.constant 0 : i32
      %dma_wait3A_871 = arith.constant 0 : i32
      %dma_wait3A_872 = tpu.memref_slice %arg6[%dma_wait3A_868, %dma_wait3A_869, %dma_wait3A_870, %dma_wait3A_871] : memref<2x16x26x64xf32, #tpu.memory_space<vmem>> -> memref<1x1x26x64xf32, #tpu.memory_space<vmem>>
      %dma_wait3A_873 = tpu.memref_squeeze %dma_wait3A_872 : memref<1x1x26x64xf32, #tpu.memory_space<vmem>> -> memref<26x64xf32, #tpu.memory_space<vmem>>
      %dma_wait3A_874 = arith.constant 0 : i32
      %dma_wait3A_875 = tpu.memref_slice %arg5[%dma_wait3A_867, %dma_wait3A_874] : memref<512x26xi32, #tpu.memory_space<vmem>> -> memref<1x26xi32, #tpu.memory_space<vmem>>
      %dma_wait3A_876 = tpu.memref_squeeze %dma_wait3A_875 : memref<1x26xi32, #tpu.memory_space<vmem>> -> memref<26xi32, #tpu.memory_space<vmem>>
      %dma_wait3A_877 = arith.constant 0 : i32
      %dma_wait3A_878 = arith.constant 0 : i32
      %dma_wait3A_879 = tpu.memref_slice %arg2[%dma_wait3A_877, %dma_wait3A_878] : memref<1000000x64xf32, #tpu.memory_space<hbm>> -> memref<1000000x64xf32, #tpu.memory_space<hbm>>
      tpu.wait_indirect_dma semaphore(%arg8 : memref<!tpu.dma_semaphore, #tpu.memory_space<semaphore_mem>>) src(%dma_wait3A_879 : memref<1000000x64xf32, #tpu.memory_space<hbm>>) dst(%dma_wait3A_873 : memref<26x64xf32, #tpu.memory_space<vmem>>)
      %dma_wait3A_880 = arith.constant 0 : i32
      %dma_wait3A_881 = arith.constant 1 : i32
      %dma_wait3A_882 = arith.constant 12 : i32
      %dma_wait3A_883 = arith.constant 0 : i32
      %dma_wait3A_884 = arith.constant 0 : i32
      %dma_wait3A_885 = tpu.memref_slice %arg6[%dma_wait3A_881, %dma_wait3A_882, %dma_wait3A_883, %dma_wait3A_884] : memref<2x16x26x64xf32, #tpu.memory_space<vmem>> -> memref<1x1x26x64xf32, #tpu.memory_space<vmem>>
      %dma_wait3A_886 = tpu.memref_squeeze %dma_wait3A_885 : memref<1x1x26x64xf32, #tpu.memory_space<vmem>> -> memref<26x64xf32, #tpu.memory_space<vmem>>
      %dma_wait3A_887 = arith.constant 0 : i32
      %dma_wait3A_888 = tpu.memref_slice %arg5[%dma_wait3A_880, %dma_wait3A_887] : memref<512x26xi32, #tpu.memory_space<vmem>> -> memref<1x26xi32, #tpu.memory_space<vmem>>
      %dma_wait3A_889 = tpu.memref_squeeze %dma_wait3A_888 : memref<1x26xi32, #tpu.memory_space<vmem>> -> memref<26xi32, #tpu.memory_space<vmem>>
      %dma_wait3A_890 = arith.constant 0 : i32
      %dma_wait3A_891 = arith.constant 0 : i32
      %dma_wait3A_892 = tpu.memref_slice %arg2[%dma_wait3A_890, %dma_wait3A_891] : memref<1000000x64xf32, #tpu.memory_space<hbm>> -> memref<1000000x64xf32, #tpu.memory_space<hbm>>
      tpu.wait_indirect_dma semaphore(%arg8 : memref<!tpu.dma_semaphore, #tpu.memory_space<semaphore_mem>>) src(%dma_wait3A_892 : memref<1000000x64xf32, #tpu.memory_space<hbm>>) dst(%dma_wait3A_886 : memref<26x64xf32, #tpu.memory_space<vmem>>)
      %dma_wait3A_893 = arith.constant 0 : i32
      %dma_wait3A_894 = arith.constant 1 : i32
      %dma_wait3A_895 = arith.constant 13 : i32
      %dma_wait3A_896 = arith.constant 0 : i32
      %dma_wait3A_897 = arith.constant 0 : i32
      %dma_wait3A_898 = tpu.memref_slice %arg6[%dma_wait3A_894, %dma_wait3A_895, %dma_wait3A_896, %dma_wait3A_897] : memref<2x16x26x64xf32, #tpu.memory_space<vmem>> -> memref<1x1x26x64xf32, #tpu.memory_space<vmem>>
      %dma_wait3A_899 = tpu.memref_squeeze %dma_wait3A_898 : memref<1x1x26x64xf32, #tpu.memory_space<vmem>> -> memref<26x64xf32, #tpu.memory_space<vmem>>
      %dma_wait3A_900 = arith.constant 0 : i32
      %dma_wait3A_901 = tpu.memref_slice %arg5[%dma_wait3A_893, %dma_wait3A_900] : memref<512x26xi32, #tpu.memory_space<vmem>> -> memref<1x26xi32, #tpu.memory_space<vmem>>
      %dma_wait3A_902 = tpu.memref_squeeze %dma_wait3A_901 : memref<1x26xi32, #tpu.memory_space<vmem>> -> memref<26xi32, #tpu.memory_space<vmem>>
      %dma_wait3A_903 = arith.constant 0 : i32
      %dma_wait3A_904 = arith.constant 0 : i32
      %dma_wait3A_905 = tpu.memref_slice %arg2[%dma_wait3A_903, %dma_wait3A_904] : memref<1000000x64xf32, #tpu.memory_space<hbm>> -> memref<1000000x64xf32, #tpu.memory_space<hbm>>
      tpu.wait_indirect_dma semaphore(%arg8 : memref<!tpu.dma_semaphore, #tpu.memory_space<semaphore_mem>>) src(%dma_wait3A_905 : memref<1000000x64xf32, #tpu.memory_space<hbm>>) dst(%dma_wait3A_899 : memref<26x64xf32, #tpu.memory_space<vmem>>)
      %dma_wait3A_906 = arith.constant 0 : i32
      %dma_wait3A_907 = arith.constant 1 : i32
      %dma_wait3A_908 = arith.constant 14 : i32
      %dma_wait3A_909 = arith.constant 0 : i32
      %dma_wait3A_910 = arith.constant 0 : i32
      %dma_wait3A_911 = tpu.memref_slice %arg6[%dma_wait3A_907, %dma_wait3A_908, %dma_wait3A_909, %dma_wait3A_910] : memref<2x16x26x64xf32, #tpu.memory_space<vmem>> -> memref<1x1x26x64xf32, #tpu.memory_space<vmem>>
      %dma_wait3A_912 = tpu.memref_squeeze %dma_wait3A_911 : memref<1x1x26x64xf32, #tpu.memory_space<vmem>> -> memref<26x64xf32, #tpu.memory_space<vmem>>
      %dma_wait3A_913 = arith.constant 0 : i32
      %dma_wait3A_914 = tpu.memref_slice %arg5[%dma_wait3A_906, %dma_wait3A_913] : memref<512x26xi32, #tpu.memory_space<vmem>> -> memref<1x26xi32, #tpu.memory_space<vmem>>
      %dma_wait3A_915 = tpu.memref_squeeze %dma_wait3A_914 : memref<1x26xi32, #tpu.memory_space<vmem>> -> memref<26xi32, #tpu.memory_space<vmem>>
      %dma_wait3A_916 = arith.constant 0 : i32
      %dma_wait3A_917 = arith.constant 0 : i32
      %dma_wait3A_918 = tpu.memref_slice %arg2[%dma_wait3A_916, %dma_wait3A_917] : memref<1000000x64xf32, #tpu.memory_space<hbm>> -> memref<1000000x64xf32, #tpu.memory_space<hbm>>
      tpu.wait_indirect_dma semaphore(%arg8 : memref<!tpu.dma_semaphore, #tpu.memory_space<semaphore_mem>>) src(%dma_wait3A_918 : memref<1000000x64xf32, #tpu.memory_space<hbm>>) dst(%dma_wait3A_912 : memref<26x64xf32, #tpu.memory_space<vmem>>)
      %dma_wait3A_919 = arith.constant 0 : i32
      %dma_wait3A_920 = arith.constant 1 : i32
      %dma_wait3A_921 = arith.constant 15 : i32
      %dma_wait3A_922 = arith.constant 0 : i32
      %dma_wait3A_923 = arith.constant 0 : i32
      %dma_wait3A_924 = tpu.memref_slice %arg6[%dma_wait3A_920, %dma_wait3A_921, %dma_wait3A_922, %dma_wait3A_923] : memref<2x16x26x64xf32, #tpu.memory_space<vmem>> -> memref<1x1x26x64xf32, #tpu.memory_space<vmem>>
      %dma_wait3A_925 = tpu.memref_squeeze %dma_wait3A_924 : memref<1x1x26x64xf32, #tpu.memory_space<vmem>> -> memref<26x64xf32, #tpu.memory_space<vmem>>
      %dma_wait3A_926 = arith.constant 0 : i32
      %dma_wait3A_927 = tpu.memref_slice %arg5[%dma_wait3A_919, %dma_wait3A_926] : memref<512x26xi32, #tpu.memory_space<vmem>> -> memref<1x26xi32, #tpu.memory_space<vmem>>
      %dma_wait3A_928 = tpu.memref_squeeze %dma_wait3A_927 : memref<1x26xi32, #tpu.memory_space<vmem>> -> memref<26xi32, #tpu.memory_space<vmem>>
      %dma_wait3A_929 = arith.constant 0 : i32
      %dma_wait3A_930 = arith.constant 0 : i32
      %dma_wait3A_931 = tpu.memref_slice %arg2[%dma_wait3A_929, %dma_wait3A_930] : memref<1000000x64xf32, #tpu.memory_space<hbm>> -> memref<1000000x64xf32, #tpu.memory_space<hbm>>
      tpu.wait_indirect_dma semaphore(%arg8 : memref<!tpu.dma_semaphore, #tpu.memory_space<semaphore_mem>>) src(%dma_wait3A_931 : memref<1000000x64xf32, #tpu.memory_space<hbm>>) dst(%dma_wait3A_925 : memref<26x64xf32, #tpu.memory_space<vmem>>)
      %add3A_932 = arith.constant 1 : i32
      %add3A_933 = arith.addi %mul3A_235, %add3A_932 : i32
      %mul3A_934 = arith.constant 16 : i32
      %mul3A_935 = arith.muli %add3A_933, %mul3A_934 : i32
      %add3A_936 = arith.addi %mul3A_2, %mul3A_935 : i32
      %dma_start3A_937 = arith.constant 1 : i32
      %dma_start3A_938 = arith.constant 0 : i32
      %dma_start3A_939 = arith.constant 0 : i32
      %dma_start3A_940 = arith.constant 0 : i32
      %dma_start3A_941 = tpu.memref_slice %arg6[%dma_start3A_937, %dma_start3A_938, %dma_start3A_939, %dma_start3A_940] : memref<2x16x26x64xf32, #tpu.memory_space<vmem>> -> memref<1x16x26x64xf32, #tpu.memory_space<vmem>>
      %dma_start3A_942 = tpu.memref_squeeze %dma_start3A_941 : memref<1x16x26x64xf32, #tpu.memory_space<vmem>> -> memref<16x26x64xf32, #tpu.memory_space<vmem>>
      %dma_start3A_943 = arith.constant 0 : i32
      %dma_start3A_944 = arith.constant 0 : i32
      %dma_start3A_945 = tpu.memref_slice %arg4[%add3A_936, %dma_start3A_943, %dma_start3A_944] : memref<16384x26x64xf32, #tpu.memory_space<hbm>> -> memref<16x26x64xf32, #tpu.memory_space<hbm>>
      %dma_start3A_946 = arith.constant 0 : i32
      %dma_start3A_947 = arith.constant 0 : i32
      %dma_start3A_948 = tpu.memref_slice %arg4[%add3A_936, %dma_start3A_946, %dma_start3A_947] : memref<16384x26x64xf32, #tpu.memory_space<hbm>> -> memref<16x26x64xf32, #tpu.memory_space<hbm>>
      %dma_start3A_949 = arith.constant 0 : i32
      %dma_start3A_950 = arith.constant 0 : i32
      %dma_start3A_951 = arith.constant 0 : i32
      %dma_start3A_952 = tpu.memref_slice %arg6[%dma_start3A_937, %dma_start3A_949, %dma_start3A_950, %dma_start3A_951] : memref<2x16x26x64xf32, #tpu.memory_space<vmem>> -> memref<1x16x26x64xf32, #tpu.memory_space<vmem>>
      %dma_start3A_953 = tpu.memref_squeeze %dma_start3A_952 : memref<1x16x26x64xf32, #tpu.memory_space<vmem>> -> memref<16x26x64xf32, #tpu.memory_space<vmem>>
      tpu.enqueue_dma source(%dma_start3A_953 : memref<16x26x64xf32, #tpu.memory_space<vmem>>) target(%dma_start3A_948 : memref<16x26x64xf32, #tpu.memory_space<hbm>>) target_semaphore(%arg10 : memref<!tpu.dma_semaphore, #tpu.memory_space<semaphore_mem>>)
      %dma_wait3A_954 = arith.constant 0 : i32
      %dma_wait3A_955 = arith.constant 0 : i32
      %dma_wait3A_956 = arith.constant 0 : i32
      %dma_wait3A_957 = arith.constant 0 : i32
      %dma_wait3A_958 = tpu.memref_slice %arg6[%dma_wait3A_954, %dma_wait3A_955, %dma_wait3A_956, %dma_wait3A_957] : memref<2x16x26x64xf32, #tpu.memory_space<vmem>> -> memref<1x16x26x64xf32, #tpu.memory_space<vmem>>
      %dma_wait3A_959 = tpu.memref_squeeze %dma_wait3A_958 : memref<1x16x26x64xf32, #tpu.memory_space<vmem>> -> memref<16x26x64xf32, #tpu.memory_space<vmem>>
      %dma_wait3A_960 = arith.constant 0 : i32
      %dma_wait3A_961 = arith.constant 0 : i32
      %dma_wait3A_962 = arith.constant 0 : i32
      %dma_wait3A_963 = tpu.memref_slice %arg4[%dma_wait3A_960, %dma_wait3A_961, %dma_wait3A_962] : memref<16384x26x64xf32, #tpu.memory_space<hbm>> -> memref<16x26x64xf32, #tpu.memory_space<hbm>>
      %dma_wait3A_964 = arith.constant 0 : i32
      %dma_wait3A_965 = arith.constant 0 : i32
      %dma_wait3A_966 = arith.constant 0 : i32
      %dma_wait3A_967 = tpu.memref_slice %arg4[%dma_wait3A_964, %dma_wait3A_965, %dma_wait3A_966] : memref<16384x26x64xf32, #tpu.memory_space<hbm>> -> memref<16x26x64xf32, #tpu.memory_space<hbm>>
      %dma_wait3A_968 = arith.constant 0 : i32
      %dma_wait3A_969 = arith.constant 0 : i32
      %dma_wait3A_970 = arith.constant 0 : i32
      %dma_wait3A_971 = tpu.memref_slice %arg6[%dma_wait3A_954, %dma_wait3A_968, %dma_wait3A_969, %dma_wait3A_970] : memref<2x16x26x64xf32, #tpu.memory_space<vmem>> -> memref<1x16x26x64xf32, #tpu.memory_space<vmem>>
      %dma_wait3A_972 = tpu.memref_squeeze %dma_wait3A_971 : memref<1x16x26x64xf32, #tpu.memory_space<vmem>> -> memref<16x26x64xf32, #tpu.memory_space<vmem>>
      tpu.wait_dma2 semaphore(%arg9 : memref<!tpu.dma_semaphore, #tpu.memory_space<semaphore_mem>>) src(%dma_wait3A_972 : memref<16x26x64xf32, #tpu.memory_space<vmem>>) dst(%dma_wait3A_967 : memref<16x26x64xf32, #tpu.memory_space<hbm>>)
      %lt3A = arith.constant 15 : i32
      %lt3A_973 = arith.cmpi slt, %scan3A_233, %lt3A : i32
      %convert_element_type3A_974 = arith.extui %lt3A_973 : i1 to i32
      %cond3A_975 = arith.constant 0 : i32
      %cond3A_976 = arith.cmpi ne, %convert_element_type3A_974, %cond3A_975 : i32
      scf.if %cond3A_976 {
        %add3A_977 = arith.constant 2 : i32
        %add3A_978 = arith.addi %mul3A_235, %add3A_977 : i32
        %mul3A_979 = arith.constant 16 : i32
        %mul3A_980 = arith.muli %add3A_978, %mul3A_979 : i32
        %add3A_981 = arith.constant 0 : i32
        %add3A_982 = arith.addi %mul3A_980, %add3A_981 : i32
        %dma_start3A_983 = arith.constant 0 : i32
        %dma_start3A_984 = arith.constant 0 : i32
        %dma_start3A_985 = arith.constant 0 : i32
        %dma_start3A_986 = arith.constant 0 : i32
        %dma_start3A_987 = tpu.memref_slice %arg6[%dma_start3A_983, %dma_start3A_984, %dma_start3A_985, %dma_start3A_986] : memref<2x16x26x64xf32, #tpu.memory_space<vmem>> -> memref<1x1x26x64xf32, #tpu.memory_space<vmem>>
        %dma_start3A_988 = tpu.memref_squeeze %dma_start3A_987 : memref<1x1x26x64xf32, #tpu.memory_space<vmem>> -> memref<26x64xf32, #tpu.memory_space<vmem>>
        %dma_start3A_989 = arith.constant 0 : i32
        %dma_start3A_990 = tpu.memref_slice %arg5[%add3A_982, %dma_start3A_989] : memref<512x26xi32, #tpu.memory_space<vmem>> -> memref<1x26xi32, #tpu.memory_space<vmem>>
        %dma_start3A_991 = tpu.memref_squeeze %dma_start3A_990 : memref<1x26xi32, #tpu.memory_space<vmem>> -> memref<26xi32, #tpu.memory_space<vmem>>
        %dma_start3A_992 = arith.constant 0 : i32
        %dma_start3A_993 = arith.constant 0 : i32
        %dma_start3A_994 = tpu.memref_slice %arg2[%dma_start3A_992, %dma_start3A_993] : memref<1000000x64xf32, #tpu.memory_space<hbm>> -> memref<1000000x64xf32, #tpu.memory_space<hbm>>
        tpu.enqueue_indirect_dma source(%dma_start3A_994 : memref<1000000x64xf32, #tpu.memory_space<hbm>>) target(%dma_start3A_988 : memref<26x64xf32, #tpu.memory_space<vmem>>) offsets(%dma_start3A_991 : memref<26xi32, #tpu.memory_space<vmem>>) semaphore(%arg7 : memref<!tpu.dma_semaphore, #tpu.memory_space<semaphore_mem>>)
        %mul3A_995 = arith.constant 16 : i32
        %mul3A_996 = arith.muli %add3A_978, %mul3A_995 : i32
        %add3A_997 = arith.constant 1 : i32
        %add3A_998 = arith.addi %mul3A_996, %add3A_997 : i32
        %dma_start3A_999 = arith.constant 0 : i32
        %dma_start3A_1000 = arith.constant 1 : i32
        %dma_start3A_1001 = arith.constant 0 : i32
        %dma_start3A_1002 = arith.constant 0 : i32
        %dma_start3A_1003 = tpu.memref_slice %arg6[%dma_start3A_999, %dma_start3A_1000, %dma_start3A_1001, %dma_start3A_1002] : memref<2x16x26x64xf32, #tpu.memory_space<vmem>> -> memref<1x1x26x64xf32, #tpu.memory_space<vmem>>
        %dma_start3A_1004 = tpu.memref_squeeze %dma_start3A_1003 : memref<1x1x26x64xf32, #tpu.memory_space<vmem>> -> memref<26x64xf32, #tpu.memory_space<vmem>>
        %dma_start3A_1005 = arith.constant 0 : i32
        %dma_start3A_1006 = tpu.memref_slice %arg5[%add3A_998, %dma_start3A_1005] : memref<512x26xi32, #tpu.memory_space<vmem>> -> memref<1x26xi32, #tpu.memory_space<vmem>>
        %dma_start3A_1007 = tpu.memref_squeeze %dma_start3A_1006 : memref<1x26xi32, #tpu.memory_space<vmem>> -> memref<26xi32, #tpu.memory_space<vmem>>
        %dma_start3A_1008 = arith.constant 0 : i32
        %dma_start3A_1009 = arith.constant 0 : i32
        %dma_start3A_1010 = tpu.memref_slice %arg2[%dma_start3A_1008, %dma_start3A_1009] : memref<1000000x64xf32, #tpu.memory_space<hbm>> -> memref<1000000x64xf32, #tpu.memory_space<hbm>>
        tpu.enqueue_indirect_dma source(%dma_start3A_1010 : memref<1000000x64xf32, #tpu.memory_space<hbm>>) target(%dma_start3A_1004 : memref<26x64xf32, #tpu.memory_space<vmem>>) offsets(%dma_start3A_1007 : memref<26xi32, #tpu.memory_space<vmem>>) semaphore(%arg7 : memref<!tpu.dma_semaphore, #tpu.memory_space<semaphore_mem>>)
        %mul3A_1011 = arith.constant 16 : i32
        %mul3A_1012 = arith.muli %add3A_978, %mul3A_1011 : i32
        %add3A_1013 = arith.constant 2 : i32
        %add3A_1014 = arith.addi %mul3A_1012, %add3A_1013 : i32
        %dma_start3A_1015 = arith.constant 0 : i32
        %dma_start3A_1016 = arith.constant 2 : i32
        %dma_start3A_1017 = arith.constant 0 : i32
        %dma_start3A_1018 = arith.constant 0 : i32
        %dma_start3A_1019 = tpu.memref_slice %arg6[%dma_start3A_1015, %dma_start3A_1016, %dma_start3A_1017, %dma_start3A_1018] : memref<2x16x26x64xf32, #tpu.memory_space<vmem>> -> memref<1x1x26x64xf32, #tpu.memory_space<vmem>>
        %dma_start3A_1020 = tpu.memref_squeeze %dma_start3A_1019 : memref<1x1x26x64xf32, #tpu.memory_space<vmem>> -> memref<26x64xf32, #tpu.memory_space<vmem>>
        %dma_start3A_1021 = arith.constant 0 : i32
        %dma_start3A_1022 = tpu.memref_slice %arg5[%add3A_1014, %dma_start3A_1021] : memref<512x26xi32, #tpu.memory_space<vmem>> -> memref<1x26xi32, #tpu.memory_space<vmem>>
        %dma_start3A_1023 = tpu.memref_squeeze %dma_start3A_1022 : memref<1x26xi32, #tpu.memory_space<vmem>> -> memref<26xi32, #tpu.memory_space<vmem>>
        %dma_start3A_1024 = arith.constant 0 : i32
        %dma_start3A_1025 = arith.constant 0 : i32
        %dma_start3A_1026 = tpu.memref_slice %arg2[%dma_start3A_1024, %dma_start3A_1025] : memref<1000000x64xf32, #tpu.memory_space<hbm>> -> memref<1000000x64xf32, #tpu.memory_space<hbm>>
        tpu.enqueue_indirect_dma source(%dma_start3A_1026 : memref<1000000x64xf32, #tpu.memory_space<hbm>>) target(%dma_start3A_1020 : memref<26x64xf32, #tpu.memory_space<vmem>>) offsets(%dma_start3A_1023 : memref<26xi32, #tpu.memory_space<vmem>>) semaphore(%arg7 : memref<!tpu.dma_semaphore, #tpu.memory_space<semaphore_mem>>)
        %mul3A_1027 = arith.constant 16 : i32
        %mul3A_1028 = arith.muli %add3A_978, %mul3A_1027 : i32
        %add3A_1029 = arith.constant 3 : i32
        %add3A_1030 = arith.addi %mul3A_1028, %add3A_1029 : i32
        %dma_start3A_1031 = arith.constant 0 : i32
        %dma_start3A_1032 = arith.constant 3 : i32
        %dma_start3A_1033 = arith.constant 0 : i32
        %dma_start3A_1034 = arith.constant 0 : i32
        %dma_start3A_1035 = tpu.memref_slice %arg6[%dma_start3A_1031, %dma_start3A_1032, %dma_start3A_1033, %dma_start3A_1034] : memref<2x16x26x64xf32, #tpu.memory_space<vmem>> -> memref<1x1x26x64xf32, #tpu.memory_space<vmem>>
        %dma_start3A_1036 = tpu.memref_squeeze %dma_start3A_1035 : memref<1x1x26x64xf32, #tpu.memory_space<vmem>> -> memref<26x64xf32, #tpu.memory_space<vmem>>
        %dma_start3A_1037 = arith.constant 0 : i32
        %dma_start3A_1038 = tpu.memref_slice %arg5[%add3A_1030, %dma_start3A_1037] : memref<512x26xi32, #tpu.memory_space<vmem>> -> memref<1x26xi32, #tpu.memory_space<vmem>>
        %dma_start3A_1039 = tpu.memref_squeeze %dma_start3A_1038 : memref<1x26xi32, #tpu.memory_space<vmem>> -> memref<26xi32, #tpu.memory_space<vmem>>
        %dma_start3A_1040 = arith.constant 0 : i32
        %dma_start3A_1041 = arith.constant 0 : i32
        %dma_start3A_1042 = tpu.memref_slice %arg2[%dma_start3A_1040, %dma_start3A_1041] : memref<1000000x64xf32, #tpu.memory_space<hbm>> -> memref<1000000x64xf32, #tpu.memory_space<hbm>>
        tpu.enqueue_indirect_dma source(%dma_start3A_1042 : memref<1000000x64xf32, #tpu.memory_space<hbm>>) target(%dma_start3A_1036 : memref<26x64xf32, #tpu.memory_space<vmem>>) offsets(%dma_start3A_1039 : memref<26xi32, #tpu.memory_space<vmem>>) semaphore(%arg7 : memref<!tpu.dma_semaphore, #tpu.memory_space<semaphore_mem>>)
        %mul3A_1043 = arith.constant 16 : i32
        %mul3A_1044 = arith.muli %add3A_978, %mul3A_1043 : i32
        %add3A_1045 = arith.constant 4 : i32
        %add3A_1046 = arith.addi %mul3A_1044, %add3A_1045 : i32
        %dma_start3A_1047 = arith.constant 0 : i32
        %dma_start3A_1048 = arith.constant 4 : i32
        %dma_start3A_1049 = arith.constant 0 : i32
        %dma_start3A_1050 = arith.constant 0 : i32
        %dma_start3A_1051 = tpu.memref_slice %arg6[%dma_start3A_1047, %dma_start3A_1048, %dma_start3A_1049, %dma_start3A_1050] : memref<2x16x26x64xf32, #tpu.memory_space<vmem>> -> memref<1x1x26x64xf32, #tpu.memory_space<vmem>>
        %dma_start3A_1052 = tpu.memref_squeeze %dma_start3A_1051 : memref<1x1x26x64xf32, #tpu.memory_space<vmem>> -> memref<26x64xf32, #tpu.memory_space<vmem>>
        %dma_start3A_1053 = arith.constant 0 : i32
        %dma_start3A_1054 = tpu.memref_slice %arg5[%add3A_1046, %dma_start3A_1053] : memref<512x26xi32, #tpu.memory_space<vmem>> -> memref<1x26xi32, #tpu.memory_space<vmem>>
        %dma_start3A_1055 = tpu.memref_squeeze %dma_start3A_1054 : memref<1x26xi32, #tpu.memory_space<vmem>> -> memref<26xi32, #tpu.memory_space<vmem>>
        %dma_start3A_1056 = arith.constant 0 : i32
        %dma_start3A_1057 = arith.constant 0 : i32
        %dma_start3A_1058 = tpu.memref_slice %arg2[%dma_start3A_1056, %dma_start3A_1057] : memref<1000000x64xf32, #tpu.memory_space<hbm>> -> memref<1000000x64xf32, #tpu.memory_space<hbm>>
        tpu.enqueue_indirect_dma source(%dma_start3A_1058 : memref<1000000x64xf32, #tpu.memory_space<hbm>>) target(%dma_start3A_1052 : memref<26x64xf32, #tpu.memory_space<vmem>>) offsets(%dma_start3A_1055 : memref<26xi32, #tpu.memory_space<vmem>>) semaphore(%arg7 : memref<!tpu.dma_semaphore, #tpu.memory_space<semaphore_mem>>)
        %mul3A_1059 = arith.constant 16 : i32
        %mul3A_1060 = arith.muli %add3A_978, %mul3A_1059 : i32
        %add3A_1061 = arith.constant 5 : i32
        %add3A_1062 = arith.addi %mul3A_1060, %add3A_1061 : i32
        %dma_start3A_1063 = arith.constant 0 : i32
        %dma_start3A_1064 = arith.constant 5 : i32
        %dma_start3A_1065 = arith.constant 0 : i32
        %dma_start3A_1066 = arith.constant 0 : i32
        %dma_start3A_1067 = tpu.memref_slice %arg6[%dma_start3A_1063, %dma_start3A_1064, %dma_start3A_1065, %dma_start3A_1066] : memref<2x16x26x64xf32, #tpu.memory_space<vmem>> -> memref<1x1x26x64xf32, #tpu.memory_space<vmem>>
        %dma_start3A_1068 = tpu.memref_squeeze %dma_start3A_1067 : memref<1x1x26x64xf32, #tpu.memory_space<vmem>> -> memref<26x64xf32, #tpu.memory_space<vmem>>
        %dma_start3A_1069 = arith.constant 0 : i32
        %dma_start3A_1070 = tpu.memref_slice %arg5[%add3A_1062, %dma_start3A_1069] : memref<512x26xi32, #tpu.memory_space<vmem>> -> memref<1x26xi32, #tpu.memory_space<vmem>>
        %dma_start3A_1071 = tpu.memref_squeeze %dma_start3A_1070 : memref<1x26xi32, #tpu.memory_space<vmem>> -> memref<26xi32, #tpu.memory_space<vmem>>
        %dma_start3A_1072 = arith.constant 0 : i32
        %dma_start3A_1073 = arith.constant 0 : i32
        %dma_start3A_1074 = tpu.memref_slice %arg2[%dma_start3A_1072, %dma_start3A_1073] : memref<1000000x64xf32, #tpu.memory_space<hbm>> -> memref<1000000x64xf32, #tpu.memory_space<hbm>>
        tpu.enqueue_indirect_dma source(%dma_start3A_1074 : memref<1000000x64xf32, #tpu.memory_space<hbm>>) target(%dma_start3A_1068 : memref<26x64xf32, #tpu.memory_space<vmem>>) offsets(%dma_start3A_1071 : memref<26xi32, #tpu.memory_space<vmem>>) semaphore(%arg7 : memref<!tpu.dma_semaphore, #tpu.memory_space<semaphore_mem>>)
        %mul3A_1075 = arith.constant 16 : i32
        %mul3A_1076 = arith.muli %add3A_978, %mul3A_1075 : i32
        %add3A_1077 = arith.constant 6 : i32
        %add3A_1078 = arith.addi %mul3A_1076, %add3A_1077 : i32
        %dma_start3A_1079 = arith.constant 0 : i32
        %dma_start3A_1080 = arith.constant 6 : i32
        %dma_start3A_1081 = arith.constant 0 : i32
        %dma_start3A_1082 = arith.constant 0 : i32
        %dma_start3A_1083 = tpu.memref_slice %arg6[%dma_start3A_1079, %dma_start3A_1080, %dma_start3A_1081, %dma_start3A_1082] : memref<2x16x26x64xf32, #tpu.memory_space<vmem>> -> memref<1x1x26x64xf32, #tpu.memory_space<vmem>>
        %dma_start3A_1084 = tpu.memref_squeeze %dma_start3A_1083 : memref<1x1x26x64xf32, #tpu.memory_space<vmem>> -> memref<26x64xf32, #tpu.memory_space<vmem>>
        %dma_start3A_1085 = arith.constant 0 : i32
        %dma_start3A_1086 = tpu.memref_slice %arg5[%add3A_1078, %dma_start3A_1085] : memref<512x26xi32, #tpu.memory_space<vmem>> -> memref<1x26xi32, #tpu.memory_space<vmem>>
        %dma_start3A_1087 = tpu.memref_squeeze %dma_start3A_1086 : memref<1x26xi32, #tpu.memory_space<vmem>> -> memref<26xi32, #tpu.memory_space<vmem>>
        %dma_start3A_1088 = arith.constant 0 : i32
        %dma_start3A_1089 = arith.constant 0 : i32
        %dma_start3A_1090 = tpu.memref_slice %arg2[%dma_start3A_1088, %dma_start3A_1089] : memref<1000000x64xf32, #tpu.memory_space<hbm>> -> memref<1000000x64xf32, #tpu.memory_space<hbm>>
        tpu.enqueue_indirect_dma source(%dma_start3A_1090 : memref<1000000x64xf32, #tpu.memory_space<hbm>>) target(%dma_start3A_1084 : memref<26x64xf32, #tpu.memory_space<vmem>>) offsets(%dma_start3A_1087 : memref<26xi32, #tpu.memory_space<vmem>>) semaphore(%arg7 : memref<!tpu.dma_semaphore, #tpu.memory_space<semaphore_mem>>)
        %mul3A_1091 = arith.constant 16 : i32
        %mul3A_1092 = arith.muli %add3A_978, %mul3A_1091 : i32
        %add3A_1093 = arith.constant 7 : i32
        %add3A_1094 = arith.addi %mul3A_1092, %add3A_1093 : i32
        %dma_start3A_1095 = arith.constant 0 : i32
        %dma_start3A_1096 = arith.constant 7 : i32
        %dma_start3A_1097 = arith.constant 0 : i32
        %dma_start3A_1098 = arith.constant 0 : i32
        %dma_start3A_1099 = tpu.memref_slice %arg6[%dma_start3A_1095, %dma_start3A_1096, %dma_start3A_1097, %dma_start3A_1098] : memref<2x16x26x64xf32, #tpu.memory_space<vmem>> -> memref<1x1x26x64xf32, #tpu.memory_space<vmem>>
        %dma_start3A_1100 = tpu.memref_squeeze %dma_start3A_1099 : memref<1x1x26x64xf32, #tpu.memory_space<vmem>> -> memref<26x64xf32, #tpu.memory_space<vmem>>
        %dma_start3A_1101 = arith.constant 0 : i32
        %dma_start3A_1102 = tpu.memref_slice %arg5[%add3A_1094, %dma_start3A_1101] : memref<512x26xi32, #tpu.memory_space<vmem>> -> memref<1x26xi32, #tpu.memory_space<vmem>>
        %dma_start3A_1103 = tpu.memref_squeeze %dma_start3A_1102 : memref<1x26xi32, #tpu.memory_space<vmem>> -> memref<26xi32, #tpu.memory_space<vmem>>
        %dma_start3A_1104 = arith.constant 0 : i32
        %dma_start3A_1105 = arith.constant 0 : i32
        %dma_start3A_1106 = tpu.memref_slice %arg2[%dma_start3A_1104, %dma_start3A_1105] : memref<1000000x64xf32, #tpu.memory_space<hbm>> -> memref<1000000x64xf32, #tpu.memory_space<hbm>>
        tpu.enqueue_indirect_dma source(%dma_start3A_1106 : memref<1000000x64xf32, #tpu.memory_space<hbm>>) target(%dma_start3A_1100 : memref<26x64xf32, #tpu.memory_space<vmem>>) offsets(%dma_start3A_1103 : memref<26xi32, #tpu.memory_space<vmem>>) semaphore(%arg7 : memref<!tpu.dma_semaphore, #tpu.memory_space<semaphore_mem>>)
        %mul3A_1107 = arith.constant 16 : i32
        %mul3A_1108 = arith.muli %add3A_978, %mul3A_1107 : i32
        %add3A_1109 = arith.constant 8 : i32
        %add3A_1110 = arith.addi %mul3A_1108, %add3A_1109 : i32
        %dma_start3A_1111 = arith.constant 0 : i32
        %dma_start3A_1112 = arith.constant 8 : i32
        %dma_start3A_1113 = arith.constant 0 : i32
        %dma_start3A_1114 = arith.constant 0 : i32
        %dma_start3A_1115 = tpu.memref_slice %arg6[%dma_start3A_1111, %dma_start3A_1112, %dma_start3A_1113, %dma_start3A_1114] : memref<2x16x26x64xf32, #tpu.memory_space<vmem>> -> memref<1x1x26x64xf32, #tpu.memory_space<vmem>>
        %dma_start3A_1116 = tpu.memref_squeeze %dma_start3A_1115 : memref<1x1x26x64xf32, #tpu.memory_space<vmem>> -> memref<26x64xf32, #tpu.memory_space<vmem>>
        %dma_start3A_1117 = arith.constant 0 : i32
        %dma_start3A_1118 = tpu.memref_slice %arg5[%add3A_1110, %dma_start3A_1117] : memref<512x26xi32, #tpu.memory_space<vmem>> -> memref<1x26xi32, #tpu.memory_space<vmem>>
        %dma_start3A_1119 = tpu.memref_squeeze %dma_start3A_1118 : memref<1x26xi32, #tpu.memory_space<vmem>> -> memref<26xi32, #tpu.memory_space<vmem>>
        %dma_start3A_1120 = arith.constant 0 : i32
        %dma_start3A_1121 = arith.constant 0 : i32
        %dma_start3A_1122 = tpu.memref_slice %arg2[%dma_start3A_1120, %dma_start3A_1121] : memref<1000000x64xf32, #tpu.memory_space<hbm>> -> memref<1000000x64xf32, #tpu.memory_space<hbm>>
        tpu.enqueue_indirect_dma source(%dma_start3A_1122 : memref<1000000x64xf32, #tpu.memory_space<hbm>>) target(%dma_start3A_1116 : memref<26x64xf32, #tpu.memory_space<vmem>>) offsets(%dma_start3A_1119 : memref<26xi32, #tpu.memory_space<vmem>>) semaphore(%arg7 : memref<!tpu.dma_semaphore, #tpu.memory_space<semaphore_mem>>)
        %mul3A_1123 = arith.constant 16 : i32
        %mul3A_1124 = arith.muli %add3A_978, %mul3A_1123 : i32
        %add3A_1125 = arith.constant 9 : i32
        %add3A_1126 = arith.addi %mul3A_1124, %add3A_1125 : i32
        %dma_start3A_1127 = arith.constant 0 : i32
        %dma_start3A_1128 = arith.constant 9 : i32
        %dma_start3A_1129 = arith.constant 0 : i32
        %dma_start3A_1130 = arith.constant 0 : i32
        %dma_start3A_1131 = tpu.memref_slice %arg6[%dma_start3A_1127, %dma_start3A_1128, %dma_start3A_1129, %dma_start3A_1130] : memref<2x16x26x64xf32, #tpu.memory_space<vmem>> -> memref<1x1x26x64xf32, #tpu.memory_space<vmem>>
        %dma_start3A_1132 = tpu.memref_squeeze %dma_start3A_1131 : memref<1x1x26x64xf32, #tpu.memory_space<vmem>> -> memref<26x64xf32, #tpu.memory_space<vmem>>
        %dma_start3A_1133 = arith.constant 0 : i32
        %dma_start3A_1134 = tpu.memref_slice %arg5[%add3A_1126, %dma_start3A_1133] : memref<512x26xi32, #tpu.memory_space<vmem>> -> memref<1x26xi32, #tpu.memory_space<vmem>>
        %dma_start3A_1135 = tpu.memref_squeeze %dma_start3A_1134 : memref<1x26xi32, #tpu.memory_space<vmem>> -> memref<26xi32, #tpu.memory_space<vmem>>
        %dma_start3A_1136 = arith.constant 0 : i32
        %dma_start3A_1137 = arith.constant 0 : i32
        %dma_start3A_1138 = tpu.memref_slice %arg2[%dma_start3A_1136, %dma_start3A_1137] : memref<1000000x64xf32, #tpu.memory_space<hbm>> -> memref<1000000x64xf32, #tpu.memory_space<hbm>>
        tpu.enqueue_indirect_dma source(%dma_start3A_1138 : memref<1000000x64xf32, #tpu.memory_space<hbm>>) target(%dma_start3A_1132 : memref<26x64xf32, #tpu.memory_space<vmem>>) offsets(%dma_start3A_1135 : memref<26xi32, #tpu.memory_space<vmem>>) semaphore(%arg7 : memref<!tpu.dma_semaphore, #tpu.memory_space<semaphore_mem>>)
        %mul3A_1139 = arith.constant 16 : i32
        %mul3A_1140 = arith.muli %add3A_978, %mul3A_1139 : i32
        %add3A_1141 = arith.constant 10 : i32
        %add3A_1142 = arith.addi %mul3A_1140, %add3A_1141 : i32
        %dma_start3A_1143 = arith.constant 0 : i32
        %dma_start3A_1144 = arith.constant 10 : i32
        %dma_start3A_1145 = arith.constant 0 : i32
        %dma_start3A_1146 = arith.constant 0 : i32
        %dma_start3A_1147 = tpu.memref_slice %arg6[%dma_start3A_1143, %dma_start3A_1144, %dma_start3A_1145, %dma_start3A_1146] : memref<2x16x26x64xf32, #tpu.memory_space<vmem>> -> memref<1x1x26x64xf32, #tpu.memory_space<vmem>>
        %dma_start3A_1148 = tpu.memref_squeeze %dma_start3A_1147 : memref<1x1x26x64xf32, #tpu.memory_space<vmem>> -> memref<26x64xf32, #tpu.memory_space<vmem>>
        %dma_start3A_1149 = arith.constant 0 : i32
        %dma_start3A_1150 = tpu.memref_slice %arg5[%add3A_1142, %dma_start3A_1149] : memref<512x26xi32, #tpu.memory_space<vmem>> -> memref<1x26xi32, #tpu.memory_space<vmem>>
        %dma_start3A_1151 = tpu.memref_squeeze %dma_start3A_1150 : memref<1x26xi32, #tpu.memory_space<vmem>> -> memref<26xi32, #tpu.memory_space<vmem>>
        %dma_start3A_1152 = arith.constant 0 : i32
        %dma_start3A_1153 = arith.constant 0 : i32
        %dma_start3A_1154 = tpu.memref_slice %arg2[%dma_start3A_1152, %dma_start3A_1153] : memref<1000000x64xf32, #tpu.memory_space<hbm>> -> memref<1000000x64xf32, #tpu.memory_space<hbm>>
        tpu.enqueue_indirect_dma source(%dma_start3A_1154 : memref<1000000x64xf32, #tpu.memory_space<hbm>>) target(%dma_start3A_1148 : memref<26x64xf32, #tpu.memory_space<vmem>>) offsets(%dma_start3A_1151 : memref<26xi32, #tpu.memory_space<vmem>>) semaphore(%arg7 : memref<!tpu.dma_semaphore, #tpu.memory_space<semaphore_mem>>)
        %mul3A_1155 = arith.constant 16 : i32
        %mul3A_1156 = arith.muli %add3A_978, %mul3A_1155 : i32
        %add3A_1157 = arith.constant 11 : i32
        %add3A_1158 = arith.addi %mul3A_1156, %add3A_1157 : i32
        %dma_start3A_1159 = arith.constant 0 : i32
        %dma_start3A_1160 = arith.constant 11 : i32
        %dma_start3A_1161 = arith.constant 0 : i32
        %dma_start3A_1162 = arith.constant 0 : i32
        %dma_start3A_1163 = tpu.memref_slice %arg6[%dma_start3A_1159, %dma_start3A_1160, %dma_start3A_1161, %dma_start3A_1162] : memref<2x16x26x64xf32, #tpu.memory_space<vmem>> -> memref<1x1x26x64xf32, #tpu.memory_space<vmem>>
        %dma_start3A_1164 = tpu.memref_squeeze %dma_start3A_1163 : memref<1x1x26x64xf32, #tpu.memory_space<vmem>> -> memref<26x64xf32, #tpu.memory_space<vmem>>
        %dma_start3A_1165 = arith.constant 0 : i32
        %dma_start3A_1166 = tpu.memref_slice %arg5[%add3A_1158, %dma_start3A_1165] : memref<512x26xi32, #tpu.memory_space<vmem>> -> memref<1x26xi32, #tpu.memory_space<vmem>>
        %dma_start3A_1167 = tpu.memref_squeeze %dma_start3A_1166 : memref<1x26xi32, #tpu.memory_space<vmem>> -> memref<26xi32, #tpu.memory_space<vmem>>
        %dma_start3A_1168 = arith.constant 0 : i32
        %dma_start3A_1169 = arith.constant 0 : i32
        %dma_start3A_1170 = tpu.memref_slice %arg2[%dma_start3A_1168, %dma_start3A_1169] : memref<1000000x64xf32, #tpu.memory_space<hbm>> -> memref<1000000x64xf32, #tpu.memory_space<hbm>>
        tpu.enqueue_indirect_dma source(%dma_start3A_1170 : memref<1000000x64xf32, #tpu.memory_space<hbm>>) target(%dma_start3A_1164 : memref<26x64xf32, #tpu.memory_space<vmem>>) offsets(%dma_start3A_1167 : memref<26xi32, #tpu.memory_space<vmem>>) semaphore(%arg7 : memref<!tpu.dma_semaphore, #tpu.memory_space<semaphore_mem>>)
        %mul3A_1171 = arith.constant 16 : i32
        %mul3A_1172 = arith.muli %add3A_978, %mul3A_1171 : i32
        %add3A_1173 = arith.constant 12 : i32
        %add3A_1174 = arith.addi %mul3A_1172, %add3A_1173 : i32
        %dma_start3A_1175 = arith.constant 0 : i32
        %dma_start3A_1176 = arith.constant 12 : i32
        %dma_start3A_1177 = arith.constant 0 : i32
        %dma_start3A_1178 = arith.constant 0 : i32
        %dma_start3A_1179 = tpu.memref_slice %arg6[%dma_start3A_1175, %dma_start3A_1176, %dma_start3A_1177, %dma_start3A_1178] : memref<2x16x26x64xf32, #tpu.memory_space<vmem>> -> memref<1x1x26x64xf32, #tpu.memory_space<vmem>>
        %dma_start3A_1180 = tpu.memref_squeeze %dma_start3A_1179 : memref<1x1x26x64xf32, #tpu.memory_space<vmem>> -> memref<26x64xf32, #tpu.memory_space<vmem>>
        %dma_start3A_1181 = arith.constant 0 : i32
        %dma_start3A_1182 = tpu.memref_slice %arg5[%add3A_1174, %dma_start3A_1181] : memref<512x26xi32, #tpu.memory_space<vmem>> -> memref<1x26xi32, #tpu.memory_space<vmem>>
        %dma_start3A_1183 = tpu.memref_squeeze %dma_start3A_1182 : memref<1x26xi32, #tpu.memory_space<vmem>> -> memref<26xi32, #tpu.memory_space<vmem>>
        %dma_start3A_1184 = arith.constant 0 : i32
        %dma_start3A_1185 = arith.constant 0 : i32
        %dma_start3A_1186 = tpu.memref_slice %arg2[%dma_start3A_1184, %dma_start3A_1185] : memref<1000000x64xf32, #tpu.memory_space<hbm>> -> memref<1000000x64xf32, #tpu.memory_space<hbm>>
        tpu.enqueue_indirect_dma source(%dma_start3A_1186 : memref<1000000x64xf32, #tpu.memory_space<hbm>>) target(%dma_start3A_1180 : memref<26x64xf32, #tpu.memory_space<vmem>>) offsets(%dma_start3A_1183 : memref<26xi32, #tpu.memory_space<vmem>>) semaphore(%arg7 : memref<!tpu.dma_semaphore, #tpu.memory_space<semaphore_mem>>)
        %mul3A_1187 = arith.constant 16 : i32
        %mul3A_1188 = arith.muli %add3A_978, %mul3A_1187 : i32
        %add3A_1189 = arith.constant 13 : i32
        %add3A_1190 = arith.addi %mul3A_1188, %add3A_1189 : i32
        %dma_start3A_1191 = arith.constant 0 : i32
        %dma_start3A_1192 = arith.constant 13 : i32
        %dma_start3A_1193 = arith.constant 0 : i32
        %dma_start3A_1194 = arith.constant 0 : i32
        %dma_start3A_1195 = tpu.memref_slice %arg6[%dma_start3A_1191, %dma_start3A_1192, %dma_start3A_1193, %dma_start3A_1194] : memref<2x16x26x64xf32, #tpu.memory_space<vmem>> -> memref<1x1x26x64xf32, #tpu.memory_space<vmem>>
        %dma_start3A_1196 = tpu.memref_squeeze %dma_start3A_1195 : memref<1x1x26x64xf32, #tpu.memory_space<vmem>> -> memref<26x64xf32, #tpu.memory_space<vmem>>
        %dma_start3A_1197 = arith.constant 0 : i32
        %dma_start3A_1198 = tpu.memref_slice %arg5[%add3A_1190, %dma_start3A_1197] : memref<512x26xi32, #tpu.memory_space<vmem>> -> memref<1x26xi32, #tpu.memory_space<vmem>>
        %dma_start3A_1199 = tpu.memref_squeeze %dma_start3A_1198 : memref<1x26xi32, #tpu.memory_space<vmem>> -> memref<26xi32, #tpu.memory_space<vmem>>
        %dma_start3A_1200 = arith.constant 0 : i32
        %dma_start3A_1201 = arith.constant 0 : i32
        %dma_start3A_1202 = tpu.memref_slice %arg2[%dma_start3A_1200, %dma_start3A_1201] : memref<1000000x64xf32, #tpu.memory_space<hbm>> -> memref<1000000x64xf32, #tpu.memory_space<hbm>>
        tpu.enqueue_indirect_dma source(%dma_start3A_1202 : memref<1000000x64xf32, #tpu.memory_space<hbm>>) target(%dma_start3A_1196 : memref<26x64xf32, #tpu.memory_space<vmem>>) offsets(%dma_start3A_1199 : memref<26xi32, #tpu.memory_space<vmem>>) semaphore(%arg7 : memref<!tpu.dma_semaphore, #tpu.memory_space<semaphore_mem>>)
        %mul3A_1203 = arith.constant 16 : i32
        %mul3A_1204 = arith.muli %add3A_978, %mul3A_1203 : i32
        %add3A_1205 = arith.constant 14 : i32
        %add3A_1206 = arith.addi %mul3A_1204, %add3A_1205 : i32
        %dma_start3A_1207 = arith.constant 0 : i32
        %dma_start3A_1208 = arith.constant 14 : i32
        %dma_start3A_1209 = arith.constant 0 : i32
        %dma_start3A_1210 = arith.constant 0 : i32
        %dma_start3A_1211 = tpu.memref_slice %arg6[%dma_start3A_1207, %dma_start3A_1208, %dma_start3A_1209, %dma_start3A_1210] : memref<2x16x26x64xf32, #tpu.memory_space<vmem>> -> memref<1x1x26x64xf32, #tpu.memory_space<vmem>>
        %dma_start3A_1212 = tpu.memref_squeeze %dma_start3A_1211 : memref<1x1x26x64xf32, #tpu.memory_space<vmem>> -> memref<26x64xf32, #tpu.memory_space<vmem>>
        %dma_start3A_1213 = arith.constant 0 : i32
        %dma_start3A_1214 = tpu.memref_slice %arg5[%add3A_1206, %dma_start3A_1213] : memref<512x26xi32, #tpu.memory_space<vmem>> -> memref<1x26xi32, #tpu.memory_space<vmem>>
        %dma_start3A_1215 = tpu.memref_squeeze %dma_start3A_1214 : memref<1x26xi32, #tpu.memory_space<vmem>> -> memref<26xi32, #tpu.memory_space<vmem>>
        %dma_start3A_1216 = arith.constant 0 : i32
        %dma_start3A_1217 = arith.constant 0 : i32
        %dma_start3A_1218 = tpu.memref_slice %arg2[%dma_start3A_1216, %dma_start3A_1217] : memref<1000000x64xf32, #tpu.memory_space<hbm>> -> memref<1000000x64xf32, #tpu.memory_space<hbm>>
        tpu.enqueue_indirect_dma source(%dma_start3A_1218 : memref<1000000x64xf32, #tpu.memory_space<hbm>>) target(%dma_start3A_1212 : memref<26x64xf32, #tpu.memory_space<vmem>>) offsets(%dma_start3A_1215 : memref<26xi32, #tpu.memory_space<vmem>>) semaphore(%arg7 : memref<!tpu.dma_semaphore, #tpu.memory_space<semaphore_mem>>)
        %mul3A_1219 = arith.constant 16 : i32
        %mul3A_1220 = arith.muli %add3A_978, %mul3A_1219 : i32
        %add3A_1221 = arith.constant 15 : i32
        %add3A_1222 = arith.addi %mul3A_1220, %add3A_1221 : i32
        %dma_start3A_1223 = arith.constant 0 : i32
        %dma_start3A_1224 = arith.constant 15 : i32
        %dma_start3A_1225 = arith.constant 0 : i32
        %dma_start3A_1226 = arith.constant 0 : i32
        %dma_start3A_1227 = tpu.memref_slice %arg6[%dma_start3A_1223, %dma_start3A_1224, %dma_start3A_1225, %dma_start3A_1226] : memref<2x16x26x64xf32, #tpu.memory_space<vmem>> -> memref<1x1x26x64xf32, #tpu.memory_space<vmem>>
        %dma_start3A_1228 = tpu.memref_squeeze %dma_start3A_1227 : memref<1x1x26x64xf32, #tpu.memory_space<vmem>> -> memref<26x64xf32, #tpu.memory_space<vmem>>
        %dma_start3A_1229 = arith.constant 0 : i32
        %dma_start3A_1230 = tpu.memref_slice %arg5[%add3A_1222, %dma_start3A_1229] : memref<512x26xi32, #tpu.memory_space<vmem>> -> memref<1x26xi32, #tpu.memory_space<vmem>>
        %dma_start3A_1231 = tpu.memref_squeeze %dma_start3A_1230 : memref<1x26xi32, #tpu.memory_space<vmem>> -> memref<26xi32, #tpu.memory_space<vmem>>
        %dma_start3A_1232 = arith.constant 0 : i32
        %dma_start3A_1233 = arith.constant 0 : i32
        %dma_start3A_1234 = tpu.memref_slice %arg2[%dma_start3A_1232, %dma_start3A_1233] : memref<1000000x64xf32, #tpu.memory_space<hbm>> -> memref<1000000x64xf32, #tpu.memory_space<hbm>>
        tpu.enqueue_indirect_dma source(%dma_start3A_1234 : memref<1000000x64xf32, #tpu.memory_space<hbm>>) target(%dma_start3A_1228 : memref<26x64xf32, #tpu.memory_space<vmem>>) offsets(%dma_start3A_1231 : memref<26xi32, #tpu.memory_space<vmem>>) semaphore(%arg7 : memref<!tpu.dma_semaphore, #tpu.memory_space<semaphore_mem>>)
      } else {
      }
    }
    %scan3A_214 = arith.constant 16 : i32
    %dma_wait3A = arith.constant 1 : i32
    %dma_wait3A_215 = arith.constant 0 : i32
    %dma_wait3A_216 = arith.constant 0 : i32
    %dma_wait3A_217 = arith.constant 0 : i32
    %dma_wait3A_218 = tpu.memref_slice %arg6[%dma_wait3A, %dma_wait3A_215, %dma_wait3A_216, %dma_wait3A_217] : memref<2x16x26x64xf32, #tpu.memory_space<vmem>> -> memref<1x16x26x64xf32, #tpu.memory_space<vmem>>
    %dma_wait3A_219 = tpu.memref_squeeze %dma_wait3A_218 : memref<1x16x26x64xf32, #tpu.memory_space<vmem>> -> memref<16x26x64xf32, #tpu.memory_space<vmem>>
    %dma_wait3A_220 = arith.constant 0 : i32
    %dma_wait3A_221 = arith.constant 0 : i32
    %dma_wait3A_222 = arith.constant 0 : i32
    %dma_wait3A_223 = tpu.memref_slice %arg4[%dma_wait3A_220, %dma_wait3A_221, %dma_wait3A_222] : memref<16384x26x64xf32, #tpu.memory_space<hbm>> -> memref<16x26x64xf32, #tpu.memory_space<hbm>>
    %dma_wait3A_224 = arith.constant 0 : i32
    %dma_wait3A_225 = arith.constant 0 : i32
    %dma_wait3A_226 = arith.constant 0 : i32
    %dma_wait3A_227 = tpu.memref_slice %arg4[%dma_wait3A_224, %dma_wait3A_225, %dma_wait3A_226] : memref<16384x26x64xf32, #tpu.memory_space<hbm>> -> memref<16x26x64xf32, #tpu.memory_space<hbm>>
    %dma_wait3A_228 = arith.constant 0 : i32
    %dma_wait3A_229 = arith.constant 0 : i32
    %dma_wait3A_230 = arith.constant 0 : i32
    %dma_wait3A_231 = tpu.memref_slice %arg6[%dma_wait3A, %dma_wait3A_228, %dma_wait3A_229, %dma_wait3A_230] : memref<2x16x26x64xf32, #tpu.memory_space<vmem>> -> memref<1x16x26x64xf32, #tpu.memory_space<vmem>>
    %dma_wait3A_232 = tpu.memref_squeeze %dma_wait3A_231 : memref<1x16x26x64xf32, #tpu.memory_space<vmem>> -> memref<16x26x64xf32, #tpu.memory_space<vmem>>
    tpu.wait_dma2 semaphore(%arg10 : memref<!tpu.dma_semaphore, #tpu.memory_space<semaphore_mem>>) src(%dma_wait3A_232 : memref<16x26x64xf32, #tpu.memory_space<vmem>>) dst(%dma_wait3A_227 : memref<16x26x64xf32, #tpu.memory_space<hbm>>)
    return
  }
}

</mosaic_0001>

<sc_bundles>
// kernel: kernel.3.cloned.1.call-start
scs
__scs_entry_jumppad:
0x0: {  	(pc) =	sbr.rel $0x88, $3  }
0x1: {  	(tag) =	ssettag $0x0;
	lr =	simm.s32 $0x1  }
0x2: {  	[smem:$0x3F9F] =	sst lr;
	_ =	strace $0xD0000000  }
0x3: {  	_ = 	snop  }
0x4: {  	_ = 	snop  }
0x5: {  	_ = 	snop  }
0x6: {  	_ = 	snop  }
0x7: {  	_ = 	snop  }
__scs_overlays_trampoline_lowered:
0x8: {  	[smem:$0x3FAE] =	sst s0  }
0x9: {  	[smem:$0x3FAF] =	sst s1  }
0xa: {  	[smem:$0x3FB0] =	sst s2  }
0xb: {  	[smem:$0x3FB1] =	sst s3  }
0xc: {  	[smem:$0x3FB2] =	sst s4  }
0xd: {  	[smem:$0x3FB3] =	sst s5  }
0xe: {  	[smem:$0x3FB4] =	sst s6  }
0xf: {  	[smem:$0x3FB5] =	sst s7  }
0x10: {  	[smem:$0x3FB6] =	sst s8  }
0x11: {  	[smem:$0x3FB7] =	sst s9;
	s0 =	simm.s32 @!p0 $0x0  }
0x12: {  	s1 =	sld [smem:$0x3F9D];
	s0 =	simm.s32 @p0 $0x1  }
0x13: {  	[smem:$0x3FB8] =	sst s0;
	s0 =	simm.s32 @!p1 $0x0  }
0x14: {  	s2 =	sld [smem:$0x3F9C];
	s0 =	simm.s32 @p1 $0x1  }
0x15: {  	[smem:$0x3FB9] =	sst s0;
	s0 =	simm.s32 @!p2 $0x0  }
0x16: {  	s3 =	sld [smem:$0x3FDB];
	s0 =	simm.s32 @p2 $0x1  }
0x17: {  	s4 =	simm.s32 $0x1BF5;
	[smem:$0x3FBB] =	sst s0  }
0x18: {  	s0 =	sld [smem:$0x3F9E];
	_ =	swait.ge [sflag:s4], $0x0  }
0x19: {  	s7 =	sld [smem:$0x3F9F]  }
0x1a: {  	s8 =	sadd.s32 $0xFFFFE003, lr  }
0x1b: {  	s9 =	sadd.s32 $0xFFFFFEF7, lr;
	s5 =	simm.s32 $0xFFFFFFFF;
	p2 =	slt.u32 s8, $0xFFFFF086  }
0x1c: {  	p1 =	slt.u32 s9, $0xF7A;
	s5 =	simm.s32 @!p2 $0x0  }
0x1d: {  	s5 =	simm.s32 @p1 $0x1;
	p0 =	seq.s32 s7, s2  }
0x1e: {  	s7 =	smul.u32 @!p0 $0xF7A, s2;
	p2 =	seq.s32 @!p0 s5, $0x0  }
0x1f: {  	s9 =	smul.u32 $0xF7A, s1;
	s8 =	simm.s32 @!p0 $0x1BF5;
	p2 =	por !p2, p0  }
0x20: {  	[sflag:s8] =	ssyncset.s32 @!p0 $0xFFFFF086;
	s6 =	sadd.s32 @!p0 s3, s7;
	s7 =	simm.s32 @!p0 $0x108  }
0x21: {  	s3 =	sadd.s32 s3, s9;
	s6 =	sadd.s32 @!p0 $0x88, s6;
	s7 =	simm.s32 @p2 $0x1082  }
0x22: {  	[simem:s7], [sflag:s8] =	dma.local @!p0 [hbm:s6], $0xF7A  }
0x23: {  	s9 =	sor.u32 $0xD0000000, s2;
	s6 =	simm.s32 $0x108;
	_ =	swait.ge @!p0 [sflag:s8], $0x0  }
0x24: {  	s3 =	sadd.s32 $0x88, s3;
	s6 =	simm.s32 @!p1 $0x1082;
	[sflag:s4] =	ssyncset.s32 $0xFFFFF086  }
0x25: {  	[simem:s6], [sflag:s4] =	dma.local [hbm:s3], $0xF7A  }
0x26: {  	[smem:$0x3F9F] =	sst s1;
	(tag) =	ssettag s2;
	_ =	strace s9  }
0x27: {  	s1 =	sld [smem:$0x3FAF]  }
0x28: {  	s2 =	sld [smem:$0x3FB0]  }
0x29: {  	s4 =	sld [smem:$0x3FB2]  }
0x2a: {  	p0 =	seq.s32 s5, $0x0;
	s5 =	sld [smem:$0x3FB3]  }
0x2b: {  	s6 =	sld [smem:$0x3FB4]  }
0x2c: {  	s7 =	sld [smem:$0x3FB5]  }
0x2d: {  	s3 =	simm.s32 $0x108;
	s8 =	sld [smem:$0x3FB6]  }
0x2e: {  	s3 =	simm.s32 @!p0 $0x1082;
	s9 =	sld [smem:$0x3FB7]  }
0x2f: {  	lr =	sadd.s32 s0, s3;
	s0 =	sld [smem:$0x3FAE]  }
0x30: {  	s3 =	sld [smem:$0x3FB1]  }
0x31: {  	[smem:$0x3FBA] =	sst s10  }
0x32: {  	s10 =	sld [smem:$0x3FB8];
	_ =	sdelay $0x3  }
0x33: {  	p0 =	seq.s32 s10, $0x1;
	s10 =	sld [smem:$0x3FBA];
	_ =	sdelay $0x3  }
0x34: {  	[smem:$0x3FBA] =	sst s10  }
0x35: {  	s10 =	sld [smem:$0x3FB9];
	_ =	sdelay $0x3  }
0x36: {  	p1 =	seq.s32 s10, $0x1;
	s10 =	sld [smem:$0x3FBA];
	_ =	sdelay $0x3  }
0x37: {  	[smem:$0x3FBA] =	sst s10  }
0x38: {  	s10 =	sld [smem:$0x3FBB]  }
0x39: {  	_ = 	snop;
	(pc) =	sbr.ind lr, $3  }
0x3a: {  	_ = 	snop  }
0x3b: {  	_ = 	snop  }
0x3c: {  	p2 =	seq.s32 s10, $0x1;
	s10 =	sld [smem:$0x3FBA]  }
0x3d: {  	_ =	shalt  }
0x3e: {  	_ =	shalt  }
0x3f: {  	_ =	shalt  }
0x40: {  	_ =	shalt  }
0x41: {  	_ =	shalt  }
0x42: {  	_ =	shalt  }
0x43: {  	_ =	shalt  }
0x44: {  	_ =	shalt  }
0x45: {  	_ =	shalt  }
0x46: {  	_ =	shalt  }
0x47: {  	_ =	shalt  }
0x48: {  	_ =	shalt  }
0x49: {  	_ =	shalt  }
0x4a: {  	_ =	shalt  }
0x4b: {  	_ =	shalt  }
0x4c: {  	_ =	shalt  }
0x4d: {  	_ =	shalt  }
0x4e: {  	_ =	shalt  }
0x4f: {  	_ =	shalt  }
0x50: {  	_ =	shalt  }
0x51: {  	_ =	shalt  }
0x52: {  	_ =	shalt  }
0x53: {  	_ =	shalt  }
0x54: {  	_ =	shalt  }
0x55: {  	_ =	shalt  }
0x56: {  	_ =	shalt  }
0x57: {  	_ =	shalt  }
0x58: {  	_ =	shalt  }
0x59: {  	_ =	shalt  }
0x5a: {  	_ =	shalt  }
0x5b: {  	_ =	shalt  }
0x5c: {  	_ =	shalt  }
0x5d: {  	_ =	shalt  }
0x5e: {  	_ =	shalt  }
0x5f: {  	_ =	shalt  }
0x60: {  	_ =	shalt  }
0x61: {  	_ =	shalt  }
0x62: {  	_ =	shalt  }
0x63: {  	_ =	shalt  }
0x64: {  	_ =	shalt  }
0x65: {  	_ =	shalt  }
0x66: {  	_ =	shalt  }
0x67: {  	_ =	shalt  }
0x68: {  	_ =	shalt  }
0x69: {  	_ =	shalt  }
0x6a: {  	_ =	shalt  }
0x6b: {  	_ =	shalt  }
0x6c: {  	_ =	shalt  }
0x6d: {  	_ =	shalt  }
0x6e: {  	_ =	shalt  }
0x6f: {  	_ =	shalt  }
0x70: {  	_ =	shalt  }
0x71: {  	_ =	shalt  }
0x72: {  	_ =	shalt  }
0x73: {  	_ =	shalt  }
0x74: {  	_ =	shalt  }
0x75: {  	_ =	shalt  }
0x76: {  	_ =	shalt  }
0x77: {  	_ =	shalt  }
0x78: {  	_ =	shalt  }
0x79: {  	_ =	shalt  }
0x7a: {  	_ =	shalt  }
0x7b: {  	_ =	shalt  }
0x7c: {  	_ =	shalt  }
0x7d: {  	_ =	shalt  }
0x7e: {  	_ =	shalt  }
0x7f: {  	_ =	shalt  }
0x80: {  	_ =	shalt  }
0x81: {  	_ =	shalt  }
0x82: {  	_ =	shalt  }
0x83: {  	_ =	shalt  }
0x84: {  	_ =	shalt  }
0x85: {  	_ =	shalt  }
0x86: {  	_ =	shalt  }
0x87: {  	_ =	shalt  }
.Lfunc_end0:
.L_simem_size_0:
called_computation.1_lowered:
.L_overlay_start_0:
0x88: {  	s2 =	sld [smem:$0x3FD9]  }
0x89: {  	s3 =	sld [smem:$0x3FFE];
	_ =	sdelay $0x1  }
0x8a: {  	s1 =	srdreg.scid  }
0x8b: {  	s0 =	sand.u32 $0x1, s1  }
0x8c: {  	s17 =	sshll.u32 s0, $0xA;
	s2 =	sadd.s32 s3, s2  }
0x8d: {  	s2 =	sadd.s32 s2, s17  }
0x8e: {  	[smem:$0x3FC6] =	sst s2  }
0x8f: {  	_ = 	snop  }
0x90: {  	s2 =	sld [smem:$0x3FD0];
	(tm) =	ssettm $0x1  }
0x91: {  	s18 =	sld [smem:$0x3FFB];
	_ =	sdelay $0x3  }
0x92: {  	_ =	strace s18  }
0x93: {  	s3 =	sld [smem:$0x3FFC];
	_ =	sdelay $0x3  }
0x94: {  	_ =	strace s3  }
0x95: {  	s3 =	sld [smem:$0x3FFD];
	_ =	sdelay $0x3  }
0x96: {  	_ =	strace s3  }
0x97: {  	_ =	strace $0x8FFFFFFF  }
0x98: {  	s19 =	sld [smem:$0x3FDB];
	_ =	sdelay $0x1  }
0x99: {  	s4 =	simm.s32 $_scs_section_size  }
0x9a: {  	s5 =	simm.s32 $_size__tile_overlayer_lowered;
	s6 =	simm.s32 $_tile_overlayer_lowered  }
0x9b: {  	s22 =	simm.s32 $0x1BFF;
	s21 =	sshll.u32 s6, $0x1;
	s3 =	sadd.s32 s4, s19  }
0x9c: {  	s7 =	simm.s32 $0x0;
	s20 =	sshll.u32 s5, $0x1;
	s5 =	sadd.s32 s21, s3  }
0x9d: {  	[timem:s7], [sflag:s22] =	dma.local [hbm:s5], s20  }
0x9e: {  	_ =	swait.ge [sflag:s22], s20  }
0x9f: {  	s4 =	ssub.s32 $0x0, s20;
	[sflag:s22] =	ssyncset.done $0x0  }
0xa0: {  	[sflag:s22] =	ssyncadd.s32 s4;
	_ =	sdelay $0x1  }
0xa1: {  	s23 =	simm.s32 $0x1B8B  }
0xa2: {  	_ =	swait.ge [sflag:s23], $0x1  }
0xa3: {  	[sflag:s23] =	ssyncset.done $0x0  }
0xa4: {  	s25 =	simm.s32 $0x1B8E;
	s24 =	sld [smem:$0x3FFE];
	[sflag:s23] =	ssyncadd.s32 $0xFFFFFFFF  }
0xa5: {  	s26 =	simm.s32 $execute0_lowered;
	[smem:$0x3FD2] =	sst s25  }
0xa6: {  	s5 =	sshll.u32 s26, $0x1;
	_ =	strace $0x80000046;
	[dreg:$0x1] =	wrdreg $0xFFFFFFFF  }
0xa7: {  	s28 =	simm.s32 $_size_execute0_lowered;
	s3 =	sadd.s32 s3, s5;
	[dreg:$0x0] =	wrdreg $0x0  }
0xa8: {  	s5 =	sshll.u32 s28, $0x1;
	[dreg:$0x2] =	wrdreg s3  }
0xa9: {  	[dreg:$0x3] =	wrdreg s5  }
0xaa: {  	[dreg:$0x4] =	wrdreg $0xC0  }
0xab: {  	_ =	task [dreg:s7], $0x5FFFF  }
0xac: {  	[dreg:$0x1] =	wrdreg $0xFFFFFFFF  }
0xad: {  	[dreg:$0x0] =	wrdreg $0x60  }
0xae: {  	[dreg:$0x2] =	wrdreg s24  }
0xaf: {  	[dreg:$0x3] =	wrdreg s2  }
0xb0: {  	[dreg:$0x4] =	wrdreg $0x9  }
0xb1: {  	_ =	task.clear_ibuf [dreg:s7], $0x5FFFF;
	_ =	strace $0x90000046  }
0xb2: {  	s29 =	simm.s32 $0x9;
	_ =	strace $0x80000048  }
0xb3: {  	_ =	swait.ge [sflag:s29], $0x1  }
0xb4: {  	[sflag:s29] =	ssyncadd.s32 $0xFFFFFFFF  }
0xb5: {  	_ =	strace $0x90000048  }
0xb6: {  	_ =	sfence  }
0xb7: {  	s30 =	sld [smem:$0x0];
	_ =	sdelay $0x2  }
0xb8: {  	s31 =	sshll.u32 s1, $0xD;
	s1 =	sshrl.u32 s1, $0x2  }
0xb9: {  	s3 =	sand.u32 $0x4000, s31;
	s1 =	sadd.s32 s1, s30  }
0xba: {  	s0 =	sor.u32 s3, s0;
	s1 =	sshll.u32 s1, $0x11  }
0xbb: {  	s0 =	sor.u32 s1, s0  }
0xbc: {  	s0 =	sadd.s32 $0x8F2B, s0  }
0xbd: {  	[sflag:s0] =	ssyncadd.remote.s32 $0x1  }
0xbe: {  	_ =	sfence.sel $0xFFFF  }
0xbf: {  	[dreg:$0x0] =	wrdreg $0xFFFFFFFF;
	(pc) =	sbr.abs _section_cstart, $3  }
0xc0: {  	[dreg:$0x1] =	wrdreg $0xFFFFFFFF  }
0xc1: {  	_ =	task.clear_ibuf [dreg:s7], $0x2FFFF;
	_ =	strace $0x9FFFFFFF  }
0xc2: {  	(tm) =	ssettm $0x7FFFFFFF  }
0xc3: {  	_ =	shalt  }
tec
execute0_lowered:
.L_overlay_start_1:
0x0: {  	(tag) =	ssettag $0x1  }
0x1: {  	s0 =	rddreg [dreg:$0x0]  }
0x2: {  	s1 =	rddreg [dreg:$0x1];
	s2 =	simm.s32 $0x0  }
0x3: {  	s4 =	srdreg.scid;
	s8 =	stileid.u32;
	s9 =	simm.s32 $0x4000  }
0x4: {  	s14 =	simm.s32 $0x9480;
	s18 =	simm.s32 $0x9B00;
	s22 =	simm.s32 $0xA180  }
0x5: {  	s24 =	simm.s32 $0x1;
	s29 =	simm.s32 $0xAE80;
	s31 =	simm.s32 $0xB500  }
0x6: {  	s12 =	simm.s32 $0xC200;
	s16 =	simm.s32 $0xC880;
	s20 =	simm.s32 $0xCF00  }
0x7: {  	s11 =	simm.s32 $0xEF80;
	s13 =	simm.s32 $0xF600;
	s15 =	simm.s32 $0xFC80  }
0x8: {  	s17 =	simm.s32 $0x10300;
	s19 =	simm.s32 $0x10980;
	s21 =	simm.s32 $0x2  }
0x9: {  	s23 =	simm.s32 $0x3;
	[smem:$0x7FF] =	sst s2;
	s3 =	sadd.s32 $0xF42E00, s0  }
0xa: {  	s4 =	sand.u32 $0x1, s4;
	s5 =	sshll.u32 s8, $0xC;
	s8 =	smul.u32 $0x34000, s8  }
0xb: {  	_ =	strace $0x80000047;
	s6 =	sshll.u32 s4, $0xB;
	s7 =	ssub.s32 $0x2, s4  }
0xc: {  	s4 =	smul.u32 $0x1A000, s4;
	s5 =	sor.u32 s6, s5;
	s25 =	sshrl.u32 s7, $0x1  }
0xd: {  	s1 =	sadd.s32 s8, s1;
	s8 =	simm.s32 $0x1A;
	s6 =	simm.s32 $0xE280  }
.Ltmp0:
0xe: {  	s0 =	sadd.s32 s5, s0;
	s26 =	ssub.s32 s7, s25;
	(pc) =	sbr.rel .LBB2_1-.Ltmp0, $4  }
0xf: {  	s30 =	sadd.s32 s4, s1;
	s1 =	simm.s32 $0xBB80;
	s4 =	simm.s32 $0xD580  }
0x10: {  	s5 =	simm.s32 $0xDC00;
	s0 =	sadd.s32 $0xA00, s0;
	[dreg:$0x5] =	wrdreg s30  }
0x11: {  	s7 =	simm.s32 $0xE900;
	s28 =	smax.u32 s26, $0x1;
	[dreg:$0x3] =	wrdreg s0  }
0x12: {  	s25 =	simm.s32 $0x0;
	s26 =	simm.s32 $0xA800;
	[dreg:$0x4] =	wrdreg s28  }
.LBB2_4:
0x13: {  	s10 =	simm.s32 $0x4  }
0x14: {  	_ =	swait.ge [sflag:s10], $0x6800  }
0x15: {  	s25 =	rddreg [dreg:$0x6]  }
0x16: {  	s0 =	rddreg [dreg:$0x4];
	s25 =	sadd.s32 $0x1, s25  }
0x17: {  	p0 =	sne.s32 s25, s0  }
.Ltmp1:
0x18: {  	_ = 	snop;
	(pc) =	sbr.rel @!p0 .LBB2_5-.Ltmp1, $3  }
0x19: {  	_ =	sdelay $0x1  }
0x1a: {  	[sflag:s10] =	ssyncset.done $0x0  }
0x1b: {  	[sflag:s10] =	ssyncadd.s32 $0xFFFF9800  }
.LBB2_1:
0x1c: {  	[dreg:$0x6] =	wrdreg s25  }
0x1d: {  	s0 =	rddreg [dreg:$0x3];
	s25 =	simm.s32 $0x5  }
0x1e: {  	[tilespmem:s2], [sflag:$0x5] =	stream.linear.gather [hbm4b:s0+s2], $0x4000, $0x38;
	[tilespmem:$0x11000] =	vst v63  }
0x1f: {  	_ =	swait.ge [sflag:s25], $0x4000  }
0x20: {  	[sflag:s25] =	ssyncset.done $0x0  }
0x21: {  	[sflag:s25] =	ssyncadd.s32 $0xFFFFC000  }
0x22: {  	[tilespmem:s9], [sflag:$0x1] =	stream.indirect.gather [hbm4b:s3+s8], $0x40, s2, s8, $0xb8;
	[tilespmem:$0x11000] =	vst v63  }
0x23: {  	s30 =	simm.s32 $0x20;
	s10 =	simm.s32 $0x4680  }
0x24: {  	[tilespmem:s10], [sflag:$0x1] =	stream.indirect.gather [hbm4b:s3+s8], $0x40, s30, s8, $0xb8;
	[tilespmem:$0x11000] =	vst v63  }
0x25: {  	s25 =	simm.s32 $0x40;
	s30 =	simm.s32 $0x4D00  }
0x26: {  	[tilespmem:s30], [sflag:$0x1] =	stream.indirect.gather [hbm4b:s3+s8], $0x40, s25, s8, $0xb8;
	[tilespmem:$0x11000] =	vst v63  }
0x27: {  	s25 =	simm.s32 $0x60;
	s30 =	simm.s32 $0x5380  }
0x28: {  	[tilespmem:s30], [sflag:$0x1] =	stream.indirect.gather [hbm4b:s3+s8], $0x40, s25, s8, $0xb8;
	[tilespmem:$0x11000] =	vst v63  }
0x29: {  	s25 =	simm.s32 $0x80;
	s30 =	simm.s32 $0x5A00  }
0x2a: {  	[tilespmem:s30], [sflag:$0x1] =	stream.indirect.gather [hbm4b:s3+s8], $0x40, s25, s8, $0xb8;
	[tilespmem:$0x11000] =	vst v63  }
0x2b: {  	s25 =	simm.s32 $0xA0;
	s30 =	simm.s32 $0x6080  }
0x2c: {  	[tilespmem:s30], [sflag:$0x1] =	stream.indirect.gather [hbm4b:s3+s8], $0x40, s25, s8, $0xb8;
	[tilespmem:$0x11000] =	vst v63  }
0x2d: {  	s25 =	simm.s32 $0xC0;
	s30 =	simm.s32 $0x6700  }
0x2e: {  	[tilespmem:s30], [sflag:$0x1] =	stream.indirect.gather [hbm4b:s3+s8], $0x40, s25, s8, $0xb8;
	[tilespmem:$0x11000] =	vst v63  }
0x2f: {  	s25 =	simm.s32 $0xE0;
	s30 =	simm.s32 $0x6D80  }
0x30: {  	[tilespmem:s30], [sflag:$0x1] =	stream.indirect.gather [hbm4b:s3+s8], $0x40, s25, s8, $0xb8;
	[tilespmem:$0x11000] =	vst v63  }
0x31: {  	s25 =	simm.s32 $0x100;
	s30 =	simm.s32 $0x7400  }
0x32: {  	[tilespmem:s30], [sflag:$0x1] =	stream.indirect.gather [hbm4b:s3+s8], $0x40, s25, s8, $0xb8;
	[tilespmem:$0x11000] =	vst v63  }
0x33: {  	s25 =	simm.s32 $0x120;
	s30 =	simm.s32 $0x7A80  }
0x34: {  	[tilespmem:s30], [sflag:$0x1] =	stream.indirect.gather [hbm4b:s3+s8], $0x40, s25, s8, $0xb8;
	[tilespmem:$0x11000] =	vst v63  }
0x35: {  	s25 =	simm.s32 $0x140;
	s30 =	simm.s32 $0x8100  }
0x36: {  	[tilespmem:s30], [sflag:$0x1] =	stream.indirect.gather [hbm4b:s3+s8], $0x40, s25, s8, $0xb8;
	[tilespmem:$0x11000] =	vst v63  }
0x37: {  	s25 =	simm.s32 $0x160;
	s30 =	simm.s32 $0x8780  }
0x38: {  	[tilespmem:s30], [sflag:$0x1] =	stream.indirect.gather [hbm4b:s3+s8], $0x40, s25, s8, $0xb8;
	[tilespmem:$0x11000] =	vst v63  }
0x39: {  	s25 =	simm.s32 $0x180;
	s30 =	simm.s32 $0x8E00  }
0x3a: {  	[tilespmem:s30], [sflag:$0x1] =	stream.indirect.gather [hbm4b:s3+s8], $0x40, s25, s8, $0xb8;
	[tilespmem:$0x11000] =	vst v63  }
0x3b: {  	s10 =	simm.s32 $0x1A0  }
0x3c: {  	[tilespmem:s14], [sflag:$0x1] =	stream.indirect.gather [hbm4b:s3+s8], $0x40, s10, s8, $0xb8;
	[tilespmem:$0x11000] =	vst v63  }
0x3d: {  	s25 =	simm.s32 $0x1C0  }
0x3e: {  	[tilespmem:s18], [sflag:$0x1] =	stream.indirect.gather [hbm4b:s3+s8], $0x40, s25, s8, $0xb8;
	[tilespmem:$0x11000] =	vst v63  }
0x3f: {  	s28 =	simm.s32 $0x0;
	s30 =	simm.s32 $0x1E0;
	s25 =	rddreg [dreg:$0x5]  }
0x40: {  	[tilespmem:s22], [sflag:$0x1] =	stream.indirect.gather [hbm4b:s3+s8], $0x40, s30, s8, $0xb8;
	[tilespmem:$0x11000] =	vst v63  }
.LBB2_2:
0x41: {  	_ =	swait.ge [sflag:s24], $0x680  }
0x42: {  	[sflag:s24] =	ssyncset.done $0x0  }
0x43: {  	[sflag:s24] =	ssyncadd.s32 $0xFFFFF980  }
0x44: {  	_ =	swait.ge [sflag:s24], $0x680  }
0x45: {  	[sflag:s24] =	ssyncset.done $0x0  }
0x46: {  	[sflag:s24] =	ssyncadd.s32 $0xFFFFF980  }
0x47: {  	_ =	swait.ge [sflag:s24], $0x680  }
0x48: {  	[sflag:s24] =	ssyncset.done $0x0  }
0x49: {  	[sflag:s24] =	ssyncadd.s32 $0xFFFFF980  }
0x4a: {  	_ =	swait.ge [sflag:s24], $0x680  }
0x4b: {  	[sflag:s24] =	ssyncset.done $0x0  }
0x4c: {  	[sflag:s24] =	ssyncadd.s32 $0xFFFFF980  }
0x4d: {  	_ =	swait.ge [sflag:s24], $0x680  }
0x4e: {  	[sflag:s24] =	ssyncset.done $0x0  }
0x4f: {  	[sflag:s24] =	ssyncadd.s32 $0xFFFFF980  }
0x50: {  	_ =	swait.ge [sflag:s24], $0x680  }
0x51: {  	[sflag:s24] =	ssyncset.done $0x0  }
0x52: {  	[sflag:s24] =	ssyncadd.s32 $0xFFFFF980  }
0x53: {  	_ =	swait.ge [sflag:s24], $0x680  }
0x54: {  	[sflag:s24] =	ssyncset.done $0x0  }
0x55: {  	[sflag:s24] =	ssyncadd.s32 $0xFFFFF980  }
0x56: {  	_ =	swait.ge [sflag:s24], $0x680  }
0x57: {  	[sflag:s24] =	ssyncset.done $0x0  }
0x58: {  	[sflag:s24] =	ssyncadd.s32 $0xFFFFF980  }
0x59: {  	_ =	swait.ge [sflag:s24], $0x680  }
0x5a: {  	[sflag:s24] =	ssyncset.done $0x0  }
0x5b: {  	[sflag:s24] =	ssyncadd.s32 $0xFFFFF980  }
0x5c: {  	_ =	swait.ge [sflag:s24], $0x680  }
0x5d: {  	[sflag:s24] =	ssyncset.done $0x0  }
0x5e: {  	[sflag:s24] =	ssyncadd.s32 $0xFFFFF980  }
0x5f: {  	_ =	swait.ge [sflag:s24], $0x680  }
0x60: {  	[sflag:s24] =	ssyncset.done $0x0  }
0x61: {  	[sflag:s24] =	ssyncadd.s32 $0xFFFFF980  }
0x62: {  	_ =	swait.ge [sflag:s24], $0x680  }
0x63: {  	[sflag:s24] =	ssyncset.done $0x0  }
0x64: {  	[sflag:s24] =	ssyncadd.s32 $0xFFFFF980  }
0x65: {  	_ =	swait.ge [sflag:s24], $0x680  }
0x66: {  	[sflag:s24] =	ssyncset.done $0x0  }
0x67: {  	[sflag:s24] =	ssyncadd.s32 $0xFFFFF980  }
0x68: {  	_ =	swait.ge [sflag:s24], $0x680  }
0x69: {  	[sflag:s24] =	ssyncset.done $0x0  }
0x6a: {  	[sflag:s24] =	ssyncadd.s32 $0xFFFFF980  }
0x6b: {  	_ =	swait.ge [sflag:s24], $0x680  }
0x6c: {  	[sflag:s24] =	ssyncset.done $0x0  }
0x6d: {  	[sflag:s24] =	ssyncadd.s32 $0xFFFFF980  }
0x6e: {  	_ =	swait.ge [sflag:s24], $0x680  }
0x6f: {  	p0 =	seq.s32 s28, $0x0;
	[sflag:s24] =	ssyncset.done $0x0  }
0x70: {  	s0 =	simm.s32 @!p0 $0x4;
	[sflag:s24] =	ssyncadd.s32 $0xFFFFF980  }
0x71: {  	[hbm4b:s25+s2] =	stream.linear.scatter [tilespmem:s9], [sflag:$0x3], $0x6800, $0x38;
	[tilespmem:$0x11000] =	vst v63  }
0x72: {  	_ =	swait.ge @!p0 [sflag:s0], $0x6800  }
0x73: {  	s30 =	sshra.s32 s28, $0x2;
	[sflag:s0] =	ssyncset.done @!p0 $0x0  }
0x74: {  	s10 =	sadd.s32 $0x200, s30;
	[sflag:s0] =	ssyncadd.s32 @!p0 $0xFFFF9800  }
0x75: {  	[tilespmem:s26], [sflag:$0x2] =	stream.indirect.gather [hbm4b:s3+s8], $0x40, s10, s8, $0xb8;
	[tilespmem:$0x11000] =	vst v63  }
0x76: {  	s10 =	sadd.s32 $0x220, s30  }
0x77: {  	[tilespmem:s29], [sflag:$0x2] =	stream.indirect.gather [hbm4b:s3+s8], $0x40, s10, s8, $0xb8;
	[tilespmem:$0x11000] =	vst v63  }
0x78: {  	s10 =	sadd.s32 $0x240, s30  }
0x79: {  	[tilespmem:s31], [sflag:$0x2] =	stream.indirect.gather [hbm4b:s3+s8], $0x40, s10, s8, $0xb8;
	[tilespmem:$0x11000] =	vst v63  }
0x7a: {  	s10 =	sadd.s32 $0x260, s30  }
0x7b: {  	[tilespmem:s1], [sflag:$0x2] =	stream.indirect.gather [hbm4b:s3+s8], $0x40, s10, s8, $0xb8;
	[tilespmem:$0x11000] =	vst v63  }
0x7c: {  	s10 =	sadd.s32 $0x280, s30  }
0x7d: {  	[tilespmem:s12], [sflag:$0x2] =	stream.indirect.gather [hbm4b:s3+s8], $0x40, s10, s8, $0xb8;
	[tilespmem:$0x11000] =	vst v63  }
0x7e: {  	s10 =	sadd.s32 $0x2A0, s30  }
0x7f: {  	[tilespmem:s16], [sflag:$0x2] =	stream.indirect.gather [hbm4b:s3+s8], $0x40, s10, s8, $0xb8;
	[tilespmem:$0x11000] =	vst v63  }
0x80: {  	s10 =	sadd.s32 $0x2C0, s30  }
0x81: {  	[tilespmem:s20], [sflag:$0x2] =	stream.indirect.gather [hbm4b:s3+s8], $0x40, s10, s8, $0xb8;
	[tilespmem:$0x11000] =	vst v63  }
0x82: {  	s10 =	sadd.s32 $0x2E0, s30  }
0x83: {  	[tilespmem:s4], [sflag:$0x2] =	stream.indirect.gather [hbm4b:s3+s8], $0x40, s10, s8, $0xb8;
	[tilespmem:$0x11000] =	vst v63  }
0x84: {  	s10 =	sadd.s32 $0x300, s30  }
0x85: {  	[tilespmem:s5], [sflag:$0x2] =	stream.indirect.gather [hbm4b:s3+s8], $0x40, s10, s8, $0xb8;
	[tilespmem:$0x11000] =	vst v63  }
0x86: {  	s10 =	sadd.s32 $0x320, s30  }
0x87: {  	[tilespmem:s6], [sflag:$0x2] =	stream.indirect.gather [hbm4b:s3+s8], $0x40, s10, s8, $0xb8;
	[tilespmem:$0x11000] =	vst v63  }
0x88: {  	s10 =	sadd.s32 $0x340, s30  }
0x89: {  	[tilespmem:s7], [sflag:$0x2] =	stream.indirect.gather [hbm4b:s3+s8], $0x40, s10, s8, $0xb8;
	[tilespmem:$0x11000] =	vst v63  }
0x8a: {  	s10 =	sadd.s32 $0x360, s30  }
0x8b: {  	[tilespmem:s11], [sflag:$0x2] =	stream.indirect.gather [hbm4b:s3+s8], $0x40, s10, s8, $0xb8;
	[tilespmem:$0x11000] =	vst v63  }
0x8c: {  	s10 =	sadd.s32 $0x380, s30  }
0x8d: {  	[tilespmem:s13], [sflag:$0x2] =	stream.indirect.gather [hbm4b:s3+s8], $0x40, s10, s8, $0xb8;
	[tilespmem:$0x11000] =	vst v63  }
0x8e: {  	s10 =	sadd.s32 $0x3A0, s30  }
0x8f: {  	[tilespmem:s15], [sflag:$0x2] =	stream.indirect.gather [hbm4b:s3+s8], $0x40, s10, s8, $0xb8;
	[tilespmem:$0x11000] =	vst v63  }
0x90: {  	s10 =	sadd.s32 $0x3C0, s30  }
0x91: {  	[tilespmem:s17], [sflag:$0x2] =	stream.indirect.gather [hbm4b:s3+s8], $0x40, s10, s8, $0xb8;
	[tilespmem:$0x11000] =	vst v63  }
0x92: {  	s10 =	sadd.s32 $0x3E0, s30  }
0x93: {  	[tilespmem:s19], [sflag:$0x2] =	stream.indirect.gather [hbm4b:s3+s8], $0x40, s10, s8, $0xb8;
	[tilespmem:$0x11000] =	vst v63  }
0x94: {  	_ =	swait.ge [sflag:s21], $0x680  }
0x95: {  	[sflag:s21] =	ssyncset.done $0x0  }
0x96: {  	[sflag:s21] =	ssyncadd.s32 $0xFFFFF980  }
0x97: {  	_ =	swait.ge [sflag:s21], $0x680  }
0x98: {  	[sflag:s21] =	ssyncset.done $0x0  }
0x99: {  	[sflag:s21] =	ssyncadd.s32 $0xFFFFF980  }
0x9a: {  	_ =	swait.ge [sflag:s21], $0x680  }
0x9b: {  	[sflag:s21] =	ssyncset.done $0x0  }
0x9c: {  	[sflag:s21] =	ssyncadd.s32 $0xFFFFF980  }
0x9d: {  	_ =	swait.ge [sflag:s21], $0x680  }
0x9e: {  	[sflag:s21] =	ssyncset.done $0x0  }
0x9f: {  	[sflag:s21] =	ssyncadd.s32 $0xFFFFF980  }
0xa0: {  	_ =	swait.ge [sflag:s21], $0x680  }
0xa1: {  	[sflag:s21] =	ssyncset.done $0x0  }
0xa2: {  	[sflag:s21] =	ssyncadd.s32 $0xFFFFF980  }
0xa3: {  	_ =	swait.ge [sflag:s21], $0x680  }
0xa4: {  	[sflag:s21] =	ssyncset.done $0x0  }
0xa5: {  	[sflag:s21] =	ssyncadd.s32 $0xFFFFF980  }
0xa6: {  	_ =	swait.ge [sflag:s21], $0x680  }
0xa7: {  	[sflag:s21] =	ssyncset.done $0x0  }
0xa8: {  	[sflag:s21] =	ssyncadd.s32 $0xFFFFF980  }
0xa9: {  	_ =	swait.ge [sflag:s21], $0x680  }
0xaa: {  	[sflag:s21] =	ssyncset.done $0x0  }
0xab: {  	[sflag:s21] =	ssyncadd.s32 $0xFFFFF980  }
0xac: {  	_ =	swait.ge [sflag:s21], $0x680  }
0xad: {  	[sflag:s21] =	ssyncset.done $0x0  }
0xae: {  	[sflag:s21] =	ssyncadd.s32 $0xFFFFF980  }
0xaf: {  	_ =	swait.ge [sflag:s21], $0x680  }
0xb0: {  	[sflag:s21] =	ssyncset.done $0x0  }
0xb1: {  	[sflag:s21] =	ssyncadd.s32 $0xFFFFF980  }
0xb2: {  	_ =	swait.ge [sflag:s21], $0x680  }
0xb3: {  	[sflag:s21] =	ssyncset.done $0x0  }
0xb4: {  	[sflag:s21] =	ssyncadd.s32 $0xFFFFF980  }
0xb5: {  	_ =	swait.ge [sflag:s21], $0x680  }
0xb6: {  	[sflag:s21] =	ssyncset.done $0x0  }
0xb7: {  	[sflag:s21] =	ssyncadd.s32 $0xFFFFF980  }
0xb8: {  	_ =	swait.ge [sflag:s21], $0x680  }
0xb9: {  	[sflag:s21] =	ssyncset.done $0x0  }
0xba: {  	[sflag:s21] =	ssyncadd.s32 $0xFFFFF980  }
0xbb: {  	_ =	swait.ge [sflag:s21], $0x680  }
0xbc: {  	[sflag:s21] =	ssyncset.done $0x0  }
0xbd: {  	[sflag:s21] =	ssyncadd.s32 $0xFFFFF980  }
0xbe: {  	_ =	swait.ge [sflag:s21], $0x680  }
0xbf: {  	[sflag:s21] =	ssyncset.done $0x0  }
0xc0: {  	[sflag:s21] =	ssyncadd.s32 $0xFFFFF980  }
0xc1: {  	_ =	swait.ge [sflag:s21], $0x680  }
0xc2: {  	p0 =	seq.s32 s28, $0xF000;
	[sflag:s21] =	ssyncset.done $0x0  }
.Ltmp2:
0xc3: {  	s10 =	sadd.s32 $0xD00, s25;
	[sflag:s21] =	ssyncadd.s32 $0xFFFFF980;
	(pc) =	sbr.rel @p0 .LBB2_4-.Ltmp2, $4  }
0xc4: {  	[hbm4b:s10+s2] =	stream.linear.scatter [tilespmem:s26], [sflag:$0x4], $0x6800, $0x38;
	[tilespmem:$0x11000] =	vst v63  }
0xc5: {  	_ =	swait.ge [sflag:s23], $0x6800  }
0xc6: {  	[sflag:s23] =	ssyncset.done $0x0  }
0xc7: {  	[sflag:s23] =	ssyncadd.s32 $0xFFFF9800  }
0xc8: {  	s0 =	sadd.s32 $0x400, s30  }
0xc9: {  	[tilespmem:s9], [sflag:$0x1] =	stream.indirect.gather [hbm4b:s3+s8], $0x40, s0, s8, $0xb8;
	[tilespmem:$0x11000] =	vst v63  }
0xca: {  	s10 =	simm.s32 $0x4680;
	s0 =	sadd.s32 $0x420, s30  }
0xcb: {  	[tilespmem:s10], [sflag:$0x1] =	stream.indirect.gather [hbm4b:s3+s8], $0x40, s0, s8, $0xb8;
	[tilespmem:$0x11000] =	vst v63  }
0xcc: {  	s0 =	sadd.s32 $0x440, s30;
	s10 =	simm.s32 $0x4D00  }
0xcd: {  	[tilespmem:s10], [sflag:$0x1] =	stream.indirect.gather [hbm4b:s3+s8], $0x40, s0, s8, $0xb8;
	[tilespmem:$0x11000] =	vst v63  }
0xce: {  	s0 =	sadd.s32 $0x460, s30;
	s10 =	simm.s32 $0x5380  }
0xcf: {  	[tilespmem:s10], [sflag:$0x1] =	stream.indirect.gather [hbm4b:s3+s8], $0x40, s0, s8, $0xb8;
	[tilespmem:$0x11000] =	vst v63  }
0xd0: {  	s0 =	sadd.s32 $0x480, s30;
	s10 =	simm.s32 $0x5A00  }
0xd1: {  	[tilespmem:s10], [sflag:$0x1] =	stream.indirect.gather [hbm4b:s3+s8], $0x40, s0, s8, $0xb8;
	[tilespmem:$0x11000] =	vst v63  }
0xd2: {  	s0 =	sadd.s32 $0x4A0, s30;
	s10 =	simm.s32 $0x6080  }
0xd3: {  	[tilespmem:s10], [sflag:$0x1] =	stream.indirect.gather [hbm4b:s3+s8], $0x40, s0, s8, $0xb8;
	[tilespmem:$0x11000] =	vst v63  }
0xd4: {  	s0 =	sadd.s32 $0x4C0, s30;
	s10 =	simm.s32 $0x6700  }
0xd5: {  	[tilespmem:s10], [sflag:$0x1] =	stream.indirect.gather [hbm4b:s3+s8], $0x40, s0, s8, $0xb8;
	[tilespmem:$0x11000] =	vst v63  }
0xd6: {  	s0 =	sadd.s32 $0x4E0, s30;
	s10 =	simm.s32 $0x6D80  }
0xd7: {  	[tilespmem:s10], [sflag:$0x1] =	stream.indirect.gather [hbm4b:s3+s8], $0x40, s0, s8, $0xb8;
	[tilespmem:$0x11000] =	vst v63  }
0xd8: {  	s0 =	sadd.s32 $0x500, s30;
	s10 =	simm.s32 $0x7400  }
0xd9: {  	[tilespmem:s10], [sflag:$0x1] =	stream.indirect.gather [hbm4b:s3+s8], $0x40, s0, s8, $0xb8;
	[tilespmem:$0x11000] =	vst v63  }
0xda: {  	s0 =	sadd.s32 $0x520, s30;
	s10 =	simm.s32 $0x7A80  }
0xdb: {  	[tilespmem:s10], [sflag:$0x1] =	stream.indirect.gather [hbm4b:s3+s8], $0x40, s0, s8, $0xb8;
	[tilespmem:$0x11000] =	vst v63  }
0xdc: {  	s0 =	sadd.s32 $0x540, s30;
	s10 =	simm.s32 $0x8100  }
0xdd: {  	[tilespmem:s10], [sflag:$0x1] =	stream.indirect.gather [hbm4b:s3+s8], $0x40, s0, s8, $0xb8;
	[tilespmem:$0x11000] =	vst v63  }
0xde: {  	s0 =	sadd.s32 $0x560, s30;
	s10 =	simm.s32 $0x8780  }
0xdf: {  	[tilespmem:s10], [sflag:$0x1] =	stream.indirect.gather [hbm4b:s3+s8], $0x40, s0, s8, $0xb8;
	[tilespmem:$0x11000] =	vst v63  }
0xe0: {  	s0 =	sadd.s32 $0x580, s30;
	s10 =	simm.s32 $0x8E00  }
0xe1: {  	[tilespmem:s10], [sflag:$0x1] =	stream.indirect.gather [hbm4b:s3+s8], $0x40, s0, s8, $0xb8;
	[tilespmem:$0x11000] =	vst v63  }
0xe2: {  	s10 =	sadd.s32 $0x5A0, s30  }
0xe3: {  	[tilespmem:s14], [sflag:$0x1] =	stream.indirect.gather [hbm4b:s3+s8], $0x40, s10, s8, $0xb8;
	[tilespmem:$0x11000] =	vst v63  }
.Ltmp3:
0xe4: {  	_ = 	snop;
	(pc) =	sbr.rel .LBB2_2-.Ltmp3, $4  }
0xe5: {  	s10 =	sadd.s32 $0x5C0, s30  }
0xe6: {  	[tilespmem:s18], [sflag:$0x1] =	stream.indirect.gather [hbm4b:s3+s8], $0x40, s10, s8, $0xb8;
	[tilespmem:$0x11000] =	vst v63  }
0xe7: {  	s28 =	sadd.s32 $0x1000, s28;
	s25 =	sadd.s32 $0x1A00, s25;
	s30 =	sadd.s32 $0x5E0, s30  }
0xe8: {  	[tilespmem:s22], [sflag:$0x1] =	stream.indirect.gather [hbm4b:s3+s8], $0x40, s30, s8, $0xb8;
	[tilespmem:$0x11000] =	vst v63  }
.LBB2_5:
0xe9: {  	_ =	sfence.sel $0x180000  }
0xea: {  	[bflag:$0x0] =	sbarrier.arrive $0xFFFF  }
0xeb: {  	_ =	strace $0x90000047  }
0xec: {  	s0 =	stileid.u32;
	[bflag:$0x2] =	sbarrier.arrive $0xFFFF  }
0xed: {  	p0 =	sne.s32 s0, $0x0;
	s0 =	rddreg [dreg:$0x2]  }
0xee: {  	s0 =	sadd.s32 @!p0 $0x100000, s0  }
0xef: {  	[sflag:s0] =	ssyncadd.tile.s32 @!p0 $0x1;
	_ =	shalt  }
.Lfunc_end2:
_tile_overlayer_lowered:
.L_overlay_start_2:
0xf0: {  	(tag) =	ssettag $0x2  }
0xf1: {  	s0 =	rddreg [dreg:$0x0];
	s2 =	stileid.u32  }
0xf2: {  	s1 =	rddreg [dreg:$0x1];
	p0 =	sne.s32 s2, $0x0  }
0xf3: {  	s3 =	rddreg [dreg:$0x2];
	[bflag:$0x3] =	sbarrier.arrive $0xFFFF;
	s2 =	simm.s32 @!p0 $0x1C05  }
0xf4: {  	[timem:s3], [sflag:s2] =	dma.local @!p0 [hbm:s0], s1  }
0xf5: {  	s0 =	simm.s32 @!p0 $0x5  }
0xf6: {  	_ =	swait.ge @!p0 [sflag:s0], s1  }
0xf7: {  	s1 =	ssub.s32 @!p0 $0x0, s1;
	[sflag:s0] =	ssyncset.done @!p0 $0x0  }
0xf8: {  	[sflag:s0] =	ssyncadd.s32 @!p0 s1  }
0xf9: {  	[bflag:$0x3] =	sbarrier.arrive $0xFFFF  }
0xfa: {  	_ =	shalt  }

// kernel: sparse-core-data-format-call.cloned.1.call-start
scs
called_computation_lowered:
.L_overlay_start_0:
0x0: {  	s2 =	sld [smem:$0x3FD9]  }
0x1: {  	s3 =	sld [smem:$0x3FFE];
	_ =	sdelay $0x1  }
0x2: {  	s1 =	srdreg.scid  }
0x3: {  	s0 =	sand.u32 $0x1, s1  }
0x4: {  	s18 =	sshll.u32 s0, $0xA;
	s2 =	sadd.s32 s3, s2  }
0x5: {  	s2 =	sadd.s32 s2, s18  }
0x6: {  	[smem:$0x3FC6] =	sst s2  }
0x7: {  	_ = 	snop  }
0x8: {  	s2 =	sld [smem:$0x3FD0];
	(tm) =	ssettm $0x1  }
0x9: {  	s19 =	sld [smem:$0x3FFB];
	_ =	sdelay $0x3  }
0xa: {  	_ =	strace s19  }
0xb: {  	s3 =	sld [smem:$0x3FFC];
	_ =	sdelay $0x3  }
0xc: {  	_ =	strace s3  }
0xd: {  	s3 =	sld [smem:$0x3FFD];
	_ =	sdelay $0x3  }
0xe: {  	_ =	strace s3  }
0xf: {  	_ =	strace $0x8FFFFFFF  }
0x10: {  	s20 =	sld [smem:$0x3FDB];
	_ =	sdelay $0x1  }
0x11: {  	s4 =	simm.s32 $_scs_section_size  }
0x12: {  	s5 =	simm.s32 $_size__tile_overlayer_lowered;
	s6 =	simm.s32 $_tile_overlayer_lowered  }
0x13: {  	s23 =	simm.s32 $0x1BFF;
	s22 =	sshll.u32 s6, $0x1;
	s3 =	sadd.s32 s4, s20  }
0x14: {  	s7 =	simm.s32 $0x0;
	s21 =	sshll.u32 s5, $0x1;
	s5 =	sadd.s32 s22, s3  }
0x15: {  	[timem:s7], [sflag:s23] =	dma.local [hbm:s5], s21  }
0x16: {  	_ =	swait.ge [sflag:s23], s21  }
0x17: {  	s4 =	ssub.s32 $0x0, s21;
	[sflag:s23] =	ssyncset.done $0x0  }
0x18: {  	[sflag:s23] =	ssyncadd.s32 s4;
	_ =	sdelay $0x1  }
0x19: {  	s24 =	simm.s32 $0x1B8B  }
0x1a: {  	_ =	swait.ge [sflag:s24], $0x1  }
0x1b: {  	[sflag:s24] =	ssyncset.done $0x0  }
0x1c: {  	s26 =	simm.s32 $0x1B8E;
	s25 =	sld [smem:$0x3FFE];
	[sflag:s24] =	ssyncadd.s32 $0xFFFFFFFF  }
0x1d: {  	s27 =	simm.s32 $execute0_lowered;
	[smem:$0x3FD2] =	sst s26  }
0x1e: {  	s5 =	sshll.u32 s27, $0x1;
	_ =	strace $0x80000049;
	[dreg:$0x1] =	wrdreg $0xFFFFFFFF  }
0x1f: {  	s28 =	simm.s32 $_size_execute0_lowered;
	s3 =	sadd.s32 s3, s5;
	[dreg:$0x0] =	wrdreg $0x0  }
0x20: {  	s5 =	sshll.u32 s28, $0x1;
	[dreg:$0x2] =	wrdreg s3  }
0x21: {  	[dreg:$0x3] =	wrdreg s5  }
0x22: {  	[dreg:$0x4] =	wrdreg $0xC0  }
0x23: {  	_ =	task [dreg:s7], $0x5FFFF  }
0x24: {  	[dreg:$0x1] =	wrdreg $0xFFFFFFFF  }
0x25: {  	[dreg:$0x0] =	wrdreg $0x60  }
0x26: {  	[dreg:$0x2] =	wrdreg s25  }
0x27: {  	[dreg:$0x3] =	wrdreg s2  }
0x28: {  	[dreg:$0x4] =	wrdreg $0x9  }
0x29: {  	_ =	task.clear_ibuf [dreg:s7], $0x5FFFF;
	_ =	strace $0x90000049  }
0x2a: {  	s29 =	simm.s32 $0x9;
	_ =	strace $0x8000004B  }
0x2b: {  	_ =	swait.ge [sflag:s29], $0x1  }
0x2c: {  	[sflag:s29] =	ssyncadd.s32 $0xFFFFFFFF  }
0x2d: {  	_ =	strace $0x9000004B  }
0x2e: {  	_ =	sfence  }
0x2f: {  	s30 =	sld [smem:$0x0];
	_ =	sdelay $0x2  }
0x30: {  	s31 =	sshll.u32 s1, $0xD;
	s1 =	sshrl.u32 s1, $0x2  }
0x31: {  	s3 =	sand.u32 $0x4000, s31;
	s1 =	sadd.s32 s1, s30  }
0x32: {  	s0 =	sor.u32 s3, s0;
	s1 =	sshll.u32 s1, $0x11  }
0x33: {  	s0 =	sor.u32 s1, s0  }
0x34: {  	s0 =	sadd.s32 $0x8F2B, s0  }
0x35: {  	[sflag:s0] =	ssyncadd.remote.s32 $0x1  }
0x36: {  	_ =	sfence.sel $0xFFFF  }
0x37: {  	[dreg:$0x0] =	wrdreg $0xFFFFFFFF;
	(pc) =	sbr.abs _section_cstart, $3  }
0x38: {  	[dreg:$0x1] =	wrdreg $0xFFFFFFFF  }
0x39: {  	_ =	task.clear_ibuf [dreg:s7], $0x2FFFF;
	_ =	strace $0x9FFFFFFF  }
0x3a: {  	(tm) =	ssettm $0x7FFFFFFF  }
0x3b: {  	_ =	shalt  }
tec
execute0_lowered:
.L_overlay_start_1:
0x0: {  	(tag) =	ssettag $0x1  }
0x1: {  	s0 =	srdreg.scid  }
0x2: {  	s1 =	sshll.u32 s0, $0x4  }
0x3: {  	s0 =	stileid.u32;
	s1 =	sand.u32 $0x10, s1  }
0x4: {  	s1 =	sor.u32 s0, s1  }
0x5: {  	s6 =	rddreg [dreg:$0x0];
	s4 =	simm.s32 $0x1;
	s2 =	sshll.u32 s1, $0x7  }
0x6: {  	s7 =	simm.s32 $0x2;
	s12 =	simm.s32 $0x0;
	s1 =	ssub.s32 $0x4000, s2  }
0x7: {  	s8 =	simm.s32 $0x20000;
	s13 =	simm.s32 $0x0;
	s3 =	sand.u32 $0xF80, s1  }
0x8: {  	s9 =	simm.s32 $0x0;
	s5 =	sshrl.u32 s1, $0xC;
	p0 =	sne.s32 s3, $0x0  }
.Ltmp0:
0x9: {  	s1 =	rddreg [dreg:$0x2];
	s4 =	simm.s32 @!p0 $0x0;
	(pc) =	sbr.rel .LBB1_1-.Ltmp0, $4  }
0xa: {  	s11 =	simm.s32 $0x0;
	s3 =	rddreg [dreg:$0x1];
	s5 =	sadd.s32 s4, s5  }
0xb: {  	_ =	strace $0x8000004A;
	s4 =	simm.s32 $0x1;
	s5 =	smul.u32 $0x1A, s5  }
0xc: {  	s6 =	sadd.s32 $0xA00, s6;
	s10 =	smov.u32 s2;
	[sflag:s4] =	ssyncpa.u1 $0x0  }
0xd: {  	p0 =	por $0x0, $0x0;
	[sflag:s7] =	ssyncpa.u1 $0x0;
	s7 =	sor.u32 $0x1, s5  }
.LBB1_4:
0xe: {  	s16 =	sshll.u32 s13, $0x3;
	s17 =	sand.u32 $0x78, s13  }
0xf: {  	s30 =	sand.u32 $0x1F800, s13;
	s12 =	sshll.u32 s12, $0x11;
	s16 =	sand.u32 $0x3C00, s16  }
0x10: {  	[tilespmem:s15+$0x810 ss:$0x81] =	vst.msk $0xffff, v2;
	s31 =	sand.u32 $0x7, s13;
	s16 =	sor.u32 s17, s16;
	s17 =	sadd.s32 s3, s30  }
0x11: {  	[tilespmem:s15+$0x1020 ss:$0x81] =	vst.msk $0xffff, v0;
	s13 =	sshll.u32 s31, $0x12;
	s12 =	sadd.s32 s12, s17;
	s16 =	sshrl.u32 s16, $0x3  }
0x12: {  	[tilespmem:s15+$0x0 ss:$0x81] =	vst.msk $0xffff, v1;
	s13 =	sor.u32 $0x400, s13;
	s12 =	sadd.s32 s16, s12  }
0x13: {  	[hbm4b:s12+s13] =	stream.strided.scatter [tilespmem:s14], [sflag:$0x2], $0x2000, s8, s13, $0x20;
	[tilespmem:$0x8080] =	vst v63  }
.LBB1_5:
0x14: {  	s14 =	sadd.s32 $0x1, s9  }
0x15: {  	s12 =	sadd.s32 $0x1000, s10;
	s16 =	smov.u32 s10;
	p2 =	sgt.s32 s14, $0x19  }
0x16: {  	s16 =	smov.u32 @p2 s12  }
0x17: {  	s14 =	simm.s32 @p2 $0x0;
	p2 =	sgt.s32 s16, $0x3FFF  }
0x18: {  	s16 =	smov.u32 @p2 s2;
	p2 =	sne.s32 s11, s7  }
.Ltmp1:
0x19: {  	p1 =	slt.u32 s11, $0x2;
	(pc) =	sbr.rel @!p2 .LBB1_6-.Ltmp1, $4  }
0x1a: {  	s15 =	simm.s32 @!p1 $0x2  }
0x1b: {  	s13 =	smov.u32 s10;
	p0 =	por !p0, !p0;
	_ =	swait.ge @!p1 [sflag:s15], $0x2000  }
0x1c: {  	s12 =	smov.u32 s9;
	[sflag:s15] =	ssyncset.done @!p1 $0x0;
	s9 =	smov.u32 s14  }
0x1d: {  	s11 =	sadd.s32 $0x1, s11;
	[sflag:s15] =	ssyncadd.s32 @!p1 $0xFFFFE000;
	s10 =	smov.u32 s16  }
.LBB1_1:
0x1e: {  	p1 =	sge.u32 s11, s5  }
0x1f: {  	s31 =	sadd.s32 $0xFFFFFFFF, s11;
	s14 =	sxor.u32 @!p1 $0xFFFFFFFF, s11  }
0x20: {  	s15 =	sshll.u32 @!p1 s10, $0x9;
	s16 =	sshll.u32 @!p1 s9, $0x4;
	s17 =	simm.s32 @!p1 $0x1000  }
0x21: {  	s14 =	sshll.u32 @!p1 s14, $0xD;
	s16 =	sand.u32 @!p1 $0x1F0, s16;
	s15 =	sadd.s32 @!p1 s6, s15  }
0x22: {  	s14 =	sand.u32 @!p1 $0x2000, s14;
	s15 =	sadd.s32 @!p1 s16, s15;
	s16 =	simm.s32 @!p1 $0x40  }
0x23: {  	[tilespmem:s14], [sflag:$0x1] =	stream.strided.gather @!p1 [hbm4b:s15+s16], $0x2000, s17, s16, $0x38;
	[tilespmem:$0x8080] =	vst v63  }
0x24: {  	p1 =	sge.u32 s31, s5  }
.Ltmp2:
0x25: {  	_ = 	snop;
	(pc) =	sbr.rel @p1 .LBB1_5-.Ltmp2, $1  }
0x26: {  	_ =	sdelay $0x3  }
0x27: {  	s14 =	simm.s32 $0x1  }
0x28: {  	_ =	swait.ge [sflag:s4], $0x2000;
	s14 =	simm.s32 @!p0 $0x0  }
0x29: {  	[sflag:s4] =	ssyncset.done $0x0;
	s15 =	sshll.u32 s14, $0xD  }
0x2a: {  	[sflag:s4] =	ssyncadd.s32 $0xFFFFE000;
	s18 =	sor.u32 $0x20, s15  }
0x2b: {  	s14 =	smul.u32 $0x8100, s14;
	v3 =	vld [tilespmem:s18+$0x10]  }
0x2c: {  	s30 =	sand.u32 $0x1, s11;
	v2 =	vld [tilespmem:s18+$0xFFFFFFF0]  }
0x2d: {  	s15 =	smul.u32 $0x8100, s30;
	s14 =	sshrl.u32 s14, $0x2;
	v0 =	vld [tilespmem:s18+$0x0]  }
0x2e: {  	v1 =	vld [tilespmem:s18+$0xFFFFFFE0];
	s16 =	sor.u32 $0x4000, s14  }
0x2f: {  	s31 =	sshrl.u32 s15, $0x2;
	s15 =	sadd.s32 $0x0, s16  }
0x30: {  	s17 =	simm.s32 $0x4;
	s18 =	sadd.s32 $0x40, s18;
	s14 =	sor.u32 $0x4000, s31;
	[tilespmem:s15+$0x1830 ss:$0x81] =	vst.msk $0xffff, v3  }
.LBB1_3:
0x31: {  	v3 =	vld [tilespmem:s18+$0x10];
	p1 =	sne.s32 s17, $0x1FC;
	[tilespmem:s15+$0x810 ss:$0x81] =	vst.msk $0xffff, v2;
	s19 =	smov.u32 s17;
	s17 =	sadd.s32 $0x4, s17  }
.Ltmp3:
0x32: {  	v2 =	vld [tilespmem:s18+$0xFFFFFFF0];
	[tilespmem:s15+$0x1020 ss:$0x81] =	vst.msk $0xffff, v0;
	(pc) =	sbr.rel @p1 .LBB1_3-.Ltmp3, $4  }
0x33: {  	v0 =	vld [tilespmem:s18+$0x0];
	[tilespmem:s15+$0x0 ss:$0x81] =	vst.msk $0xffff, v1  }
0x34: {  	s15 =	sshra.s32 s19, $0x2;
	v1 =	vld [tilespmem:s18+$0xFFFFFFE0]  }
0x35: {  	s15 =	sadd.s32 s15, s16  }
0x36: {  	s18 =	sadd.s32 $0x40, s18;
	[tilespmem:s15+$0x1830 ss:$0x81] =	vst.msk $0xffff, v3  }
.Ltmp4:
0x37: {  	_ = 	snop;
	(pc) =	sbr.rel .LBB1_4-.Ltmp4, $1  }
0x38: {  	_ =	sdelay $0x3  }
.LBB1_6:
0x39: {  	_ =	sfence.sel $0x180000  }
0x3a: {  	s2 =	simm.s32 $0x1;
	[bflag:$0x0] =	sbarrier.arrive $0xFFFF  }
0x3b: {  	s31 =	simm.s32 $0x2;
	[sflag:s2] =	ssyncpa.u1 $0x1  }
0x3c: {  	[sflag:s31] =	ssyncpa.u1 $0x1  }
0x3d: {  	p0 =	sne.s32 s0, $0x0;
	_ =	strace $0x9000004A  }
0x3e: {  	s0 =	sadd.s32 @!p0 $0x100000, s1;
	[bflag:$0x2] =	sbarrier.arrive $0xFFFF  }
0x3f: {  	[sflag:s0] =	ssyncadd.tile.s32 @!p0 $0x1;
	_ =	shalt  }
.Lfunc_end1:
_tile_overlayer_lowered:
.L_overlay_start_2:
0x40: {  	(tag) =	ssettag $0x2  }
0x41: {  	s0 =	rddreg [dreg:$0x0];
	s2 =	stileid.u32  }
0x42: {  	s1 =	rddreg [dreg:$0x1];
	p0 =	sne.s32 s2, $0x0  }
0x43: {  	s3 =	rddreg [dreg:$0x2];
	[bflag:$0x3] =	sbarrier.arrive $0xFFFF;
	s2 =	simm.s32 @!p0 $0x1C01  }
0x44: {  	[timem:s3], [sflag:s2] =	dma.local @!p0 [hbm:s0], s1  }
0x45: {  	s0 =	simm.s32 @!p0 $0x1  }
0x46: {  	_ =	swait.ge @!p0 [sflag:s0], s1  }
0x47: {  	s1 =	ssub.s32 @!p0 $0x0, s1;
	[sflag:s0] =	ssyncset.done @!p0 $0x0  }
0x48: {  	[sflag:s0] =	ssyncadd.s32 @!p0 s1  }
0x49: {  	[bflag:$0x3] =	sbarrier.arrive $0xFFFF  }
0x4a: {  	_ =	shalt  }

</sc_bundles>
